<compile_context>
chip_gen: v7x
topology: tpu7x:2x2x1
jax: 0.10.2.dev20260603
libtpu: 0.0.44.dev20260713+nightly
codegen_flags: <defaults>
</compile_context>

<pallas_src>
import jax
import jax.numpy as jnp
from jax import lax
from jax.experimental import pallas as pl
from jax.experimental.pallas import tpu as pltpu
from jax.experimental.pallas import tpu_sc as plsc

NUM_ROWS = 1000000
BATCH = 16384

NC = 2
NS = 16
NW = NC * NS
BPW = BATCH // NW
LANES = 16


def _mf_kernel(notes_hbm, raters_hbm, note_emb, rater_emb, note_bias,
               rater_bias, gb_hbm, out_hbm,
               idx_n, idx_r, ne_v, re_v, nb_v, rb_v, out_v, gb_v, sem):
  wid = lax.axis_index("s") * NC + lax.axis_index("c")

  ci = [pltpu.async_copy(notes_hbm.at[wid], idx_n, sem),
        pltpu.async_copy(raters_hbm.at[wid], idx_r, sem)]
  pltpu.sync_copy(gb_hbm, gb_v)
  for c in ci:
    c.wait()

  copies = [
      pltpu.async_copy(note_emb.at[idx_n], ne_v, sem),
      pltpu.async_copy(rater_emb.at[idx_r], re_v, sem),
      pltpu.async_copy(note_bias.at[idx_n], nb_v, sem),
      pltpu.async_copy(rater_bias.at[idx_r], rb_v, sem),
  ]
  for c in copies:
    c.wait()

  gb = gb_v[...]
  for k in range(BPW // LANES):
    sl = pl.ds(k * LANES, LANES)
    p = ne_v[sl] * re_v[sl] + nb_v[sl] + rb_v[sl] + gb
    out_v[sl] = 1.0 / (1.0 + jnp.exp(-p))

  pltpu.sync_copy(out_v, out_hbm.at[wid])


@jax.jit
def _run(notes, raters, note_emb, rater_emb, note_bias, rater_bias, gb16):
  mesh = plsc.VectorSubcoreMesh(core_axis_name="c", subcore_axis_name="s")
  f32 = jnp.float32
  scratch = [
      pltpu.VMEM((BPW,), jnp.int32),
      pltpu.VMEM((BPW,), jnp.int32),
      pltpu.VMEM((BPW,), f32),
      pltpu.VMEM((BPW,), f32),
      pltpu.VMEM((BPW,), f32),
      pltpu.VMEM((BPW,), f32),
      pltpu.VMEM((BPW,), f32),
      pltpu.VMEM((LANES,), f32),
      pltpu.SemaphoreType.DMA,
  ]
  run = pl.kernel(
      _mf_kernel,
      out_type=jax.ShapeDtypeStruct((NW, BPW), f32),
      mesh=mesh,
      scratch_types=scratch,
  )
  return run(notes, raters, note_emb, rater_emb, note_bias, rater_bias, gb16)


def kernel(notes, raters, note_emb, rater_emb, note_bias, rater_bias,
           rater_rep, global_bias):
  del rater_rep
  gb16 = jnp.broadcast_to(jnp.reshape(global_bias, (1,)), (LANES,))
  out = _run(notes.astype(jnp.int32).reshape(NW, BPW),
             raters.astype(jnp.int32).reshape(NW, BPW),
             note_emb.reshape(NUM_ROWS), rater_emb.reshape(NUM_ROWS),
             note_bias.reshape(NUM_ROWS), rater_bias.reshape(NUM_ROWS),
             gb16)
  return out.reshape(BATCH, 1)

# --- scband reference (transcript-rebuilt; emitter-appended) ---
"""Pipeline reference for scband-reputation-mfmodel-13889924235919 (READ-ONLY COPY).

The authoritative reference and input builder live on the scoring server;
editing this copy changes nothing except your own understanding.
"""

import jax, jax.numpy as jnp
import numpy as np

NUM_NOTES = 1000000
NUM_RATERS = 1000000
N_DIM = 1
BATCH = 16384


def setup_inputs(seed: int = 0) -> dict:
    key = jax.random.key(seed)
    k1, k2, k3, k4, k5, k6, k7 = jax.random.split(key, 7)
    notes = jax.random.randint(k1, (BATCH,), 0, NUM_NOTES, dtype=jnp.int64) if jax.config.jax_enable_x64 else jax.random.randint(k1, (BATCH,), 0, NUM_NOTES, dtype=jnp.int32)
    raters = jax.random.randint(k2, (BATCH,), 0, NUM_RATERS, dtype=jnp.int64) if jax.config.jax_enable_x64 else jax.random.randint(k2, (BATCH,), 0, NUM_RATERS, dtype=jnp.int32)
    note_emb = jax.random.normal(k3, (NUM_NOTES, N_DIM), dtype=jnp.float32)
    rater_emb = jax.random.normal(k4, (NUM_RATERS, N_DIM), dtype=jnp.float32)
    note_bias = jax.random.normal(k5, (NUM_NOTES, 1), dtype=jnp.float32)
    rater_bias = jax.random.normal(k6, (NUM_RATERS, 1), dtype=jnp.float32)
    rater_rep = jnp.ones((NUM_RATERS, 1), dtype=jnp.float32)
    global_bias = jnp.zeros((), dtype=jnp.float32)
    return {
        'notes': notes,
        'raters': raters,
        'note_emb': note_emb,
        'rater_emb': rater_emb,
        'note_bias': note_bias,
        'rater_bias': rater_bias,
        'rater_rep': rater_rep,
        'global_bias': global_bias,
    }


def reference(notes, raters, note_emb, rater_emb, note_bias, rater_bias, rater_rep, global_bias):
    # pred = (noteEmbedding(notes) * raterEmbedding(raters)).sum(1, keepdim=True) / sqrt(nDim)
    ne = jnp.take(note_emb, notes, axis=0)        # [B, nDim]
    re = jnp.take(rater_emb, raters, axis=0)      # [B, nDim]
    pred = jnp.sum(ne * re, axis=1, keepdims=True) / np.sqrt(N_DIM)
    # pred += noteBias(notes) * raterReputation(raters)
    pred = pred + jnp.take(note_bias, notes, axis=0) * jnp.take(rater_rep, raters, axis=0)
    # pred += raterBias(raters) + globalBias
    pred = pred + jnp.take(rater_bias, raters, axis=0) + global_bias
    # activation_fn = sigmoid
    return jax.nn.sigmoid(pred)

if __name__ == "__main__":
    import jax
    _d = setup_inputs()
    print(jax.jit(kernel)(*tuple(_d.values())))

</pallas_src>

<mosaic_0001>
#map = affine_map<(d0, d1) -> (0, 0)>
#map1 = affine_map<(d0, d1) -> (0)>
module attributes {stable_mosaic.version = 14 : i64} {
  func.func @_mf_kernel(%arg0: i32, %arg1: i32, %arg2: memref<32x512xi32, #tpu.memory_space<hbm>>, %arg3: memref<32x512xi32, #tpu.memory_space<hbm>>, %arg4: memref<1000000xf32, #tpu.memory_space<hbm>>, %arg5: memref<1000000xf32, #tpu.memory_space<hbm>>, %arg6: memref<1000000xf32, #tpu.memory_space<hbm>>, %arg7: memref<1000000xf32, #tpu.memory_space<hbm>>, %arg8: memref<16xf32, #tpu.memory_space<hbm>>, %arg9: memref<32x512xf32, #tpu.memory_space<hbm>>, %arg10: memref<512xi32, #tpu.memory_space<vmem>>, %arg11: memref<512xi32, #tpu.memory_space<vmem>>, %arg12: memref<512xf32, #tpu.memory_space<vmem>>, %arg13: memref<512xf32, #tpu.memory_space<vmem>>, %arg14: memref<512xf32, #tpu.memory_space<vmem>>, %arg15: memref<512xf32, #tpu.memory_space<vmem>>, %arg16: memref<512xf32, #tpu.memory_space<vmem>>, %arg17: memref<16xf32, #tpu.memory_space<vmem>>, %arg18: memref<!tpu.dma_semaphore, #tpu.memory_space<semaphore_mem>>) attributes {dimension_semantics = [#tpu.dimension_semantics<core_parallel>, #tpu.dimension_semantics<subcore_parallel>], iteration_bounds = array<i64: 2, 16>, scalar_prefetch = 0 : i64, scratch_operands = 9 : i64, tpu.core_type = #tpu.core_type<sc_vector_subcore>, window_params = [{transform_indices = #map}, {transform_indices = #map}, {transform_indices = #map1}, {transform_indices = #map1}, {transform_indices = #map1}, {transform_indices = #map1}, {transform_indices = #map1}, {transform_indices = #map}]} {
    %mul3A = arith.constant 2 : i32
    %mul3A_0 = arith.muli %arg1, %mul3A : i32
    %add3A = arith.addi %mul3A_0, %arg0 : i32
    %dma_start3A = arith.constant 0 : i32
    %dma_start3A_1 = tpu.memref_slice %arg2[%add3A, %dma_start3A] : memref<32x512xi32, #tpu.memory_space<hbm>> -> memref<1x512xi32, #tpu.memory_space<hbm>>
    %dma_start3A_2 = tpu.memref_squeeze %dma_start3A_1 : memref<1x512xi32, #tpu.memory_space<hbm>> -> memref<512xi32, #tpu.memory_space<hbm>>
    %dma_start3A_3 = arith.constant 0 : i32
    %dma_start3A_4 = tpu.memref_slice %arg2[%add3A, %dma_start3A_3] : memref<32x512xi32, #tpu.memory_space<hbm>> -> memref<1x512xi32, #tpu.memory_space<hbm>>
    %dma_start3A_5 = tpu.memref_squeeze %dma_start3A_4 : memref<1x512xi32, #tpu.memory_space<hbm>> -> memref<512xi32, #tpu.memory_space<hbm>>
    tpu.enqueue_dma source(%dma_start3A_5 : memref<512xi32, #tpu.memory_space<hbm>>) target(%arg10 : memref<512xi32, #tpu.memory_space<vmem>>) target_semaphore(%arg18 : memref<!tpu.dma_semaphore, #tpu.memory_space<semaphore_mem>>)
    %dma_start3A_6 = arith.constant 0 : i32
    %dma_start3A_7 = tpu.memref_slice %arg3[%add3A, %dma_start3A_6] : memref<32x512xi32, #tpu.memory_space<hbm>> -> memref<1x512xi32, #tpu.memory_space<hbm>>
    %dma_start3A_8 = tpu.memref_squeeze %dma_start3A_7 : memref<1x512xi32, #tpu.memory_space<hbm>> -> memref<512xi32, #tpu.memory_space<hbm>>
    %dma_start3A_9 = arith.constant 0 : i32
    %dma_start3A_10 = tpu.memref_slice %arg3[%add3A, %dma_start3A_9] : memref<32x512xi32, #tpu.memory_space<hbm>> -> memref<1x512xi32, #tpu.memory_space<hbm>>
    %dma_start3A_11 = tpu.memref_squeeze %dma_start3A_10 : memref<1x512xi32, #tpu.memory_space<hbm>> -> memref<512xi32, #tpu.memory_space<hbm>>
    tpu.enqueue_dma source(%dma_start3A_11 : memref<512xi32, #tpu.memory_space<hbm>>) target(%arg11 : memref<512xi32, #tpu.memory_space<vmem>>) target_semaphore(%arg18 : memref<!tpu.dma_semaphore, #tpu.memory_space<semaphore_mem>>)
    "tpu.region"() ({
      %run_scoped3A = tpu.sem_alloc : memref<!tpu.dma_semaphore, #tpu.memory_space<semaphore_mem>>
      tpu.enqueue_dma source(%arg8 : memref<16xf32, #tpu.memory_space<hbm>>) target(%arg17 : memref<16xf32, #tpu.memory_space<vmem>>) target_semaphore(%run_scoped3A : memref<!tpu.dma_semaphore, #tpu.memory_space<semaphore_mem>>)
      tpu.wait_dma2 semaphore(%run_scoped3A : memref<!tpu.dma_semaphore, #tpu.memory_space<semaphore_mem>>) src(%arg8 : memref<16xf32, #tpu.memory_space<hbm>>) dst(%arg17 : memref<16xf32, #tpu.memory_space<vmem>>)
      tpu.yield
    }) : () -> ()
    %dma_wait3A = arith.constant 0 : i32
    %dma_wait3A_12 = tpu.memref_slice %arg2[%add3A, %dma_wait3A] : memref<32x512xi32, #tpu.memory_space<hbm>> -> memref<1x512xi32, #tpu.memory_space<hbm>>
    %dma_wait3A_13 = tpu.memref_squeeze %dma_wait3A_12 : memref<1x512xi32, #tpu.memory_space<hbm>> -> memref<512xi32, #tpu.memory_space<hbm>>
    %dma_wait3A_14 = arith.constant 0 : i32
    %dma_wait3A_15 = tpu.memref_slice %arg2[%add3A, %dma_wait3A_14] : memref<32x512xi32, #tpu.memory_space<hbm>> -> memref<1x512xi32, #tpu.memory_space<hbm>>
    %dma_wait3A_16 = tpu.memref_squeeze %dma_wait3A_15 : memref<1x512xi32, #tpu.memory_space<hbm>> -> memref<512xi32, #tpu.memory_space<hbm>>
    tpu.wait_dma2 semaphore(%arg18 : memref<!tpu.dma_semaphore, #tpu.memory_space<semaphore_mem>>) src(%dma_wait3A_16 : memref<512xi32, #tpu.memory_space<hbm>>) dst(%arg10 : memref<512xi32, #tpu.memory_space<vmem>>)
    %dma_wait3A_17 = arith.constant 0 : i32
    %dma_wait3A_18 = tpu.memref_slice %arg3[%add3A, %dma_wait3A_17] : memref<32x512xi32, #tpu.memory_space<hbm>> -> memref<1x512xi32, #tpu.memory_space<hbm>>
    %dma_wait3A_19 = tpu.memref_squeeze %dma_wait3A_18 : memref<1x512xi32, #tpu.memory_space<hbm>> -> memref<512xi32, #tpu.memory_space<hbm>>
    %dma_wait3A_20 = arith.constant 0 : i32
    %dma_wait3A_21 = tpu.memref_slice %arg3[%add3A, %dma_wait3A_20] : memref<32x512xi32, #tpu.memory_space<hbm>> -> memref<1x512xi32, #tpu.memory_space<hbm>>
    %dma_wait3A_22 = tpu.memref_squeeze %dma_wait3A_21 : memref<1x512xi32, #tpu.memory_space<hbm>> -> memref<512xi32, #tpu.memory_space<hbm>>
    tpu.wait_dma2 semaphore(%arg18 : memref<!tpu.dma_semaphore, #tpu.memory_space<semaphore_mem>>) src(%dma_wait3A_22 : memref<512xi32, #tpu.memory_space<hbm>>) dst(%arg11 : memref<512xi32, #tpu.memory_space<vmem>>)
    %dma_start3A_23 = arith.constant 0 : i32
    %dma_start3A_24 = tpu.memref_slice %arg4[%dma_start3A_23] : memref<1000000xf32, #tpu.memory_space<hbm>> -> memref<1000000xf32, #tpu.memory_space<hbm>>
    tpu.enqueue_indirect_dma source(%dma_start3A_24 : memref<1000000xf32, #tpu.memory_space<hbm>>) target(%arg12 : memref<512xf32, #tpu.memory_space<vmem>>) offsets(%arg10 : memref<512xi32, #tpu.memory_space<vmem>>) semaphore(%arg18 : memref<!tpu.dma_semaphore, #tpu.memory_space<semaphore_mem>>)
    %dma_start3A_25 = arith.constant 0 : i32
    %dma_start3A_26 = tpu.memref_slice %arg5[%dma_start3A_25] : memref<1000000xf32, #tpu.memory_space<hbm>> -> memref<1000000xf32, #tpu.memory_space<hbm>>
    tpu.enqueue_indirect_dma source(%dma_start3A_26 : memref<1000000xf32, #tpu.memory_space<hbm>>) target(%arg13 : memref<512xf32, #tpu.memory_space<vmem>>) offsets(%arg11 : memref<512xi32, #tpu.memory_space<vmem>>) semaphore(%arg18 : memref<!tpu.dma_semaphore, #tpu.memory_space<semaphore_mem>>)
    %dma_start3A_27 = arith.constant 0 : i32
    %dma_start3A_28 = tpu.memref_slice %arg6[%dma_start3A_27] : memref<1000000xf32, #tpu.memory_space<hbm>> -> memref<1000000xf32, #tpu.memory_space<hbm>>
    tpu.enqueue_indirect_dma source(%dma_start3A_28 : memref<1000000xf32, #tpu.memory_space<hbm>>) target(%arg14 : memref<512xf32, #tpu.memory_space<vmem>>) offsets(%arg10 : memref<512xi32, #tpu.memory_space<vmem>>) semaphore(%arg18 : memref<!tpu.dma_semaphore, #tpu.memory_space<semaphore_mem>>)
    %dma_start3A_29 = arith.constant 0 : i32
    %dma_start3A_30 = tpu.memref_slice %arg7[%dma_start3A_29] : memref<1000000xf32, #tpu.memory_space<hbm>> -> memref<1000000xf32, #tpu.memory_space<hbm>>
    tpu.enqueue_indirect_dma source(%dma_start3A_30 : memref<1000000xf32, #tpu.memory_space<hbm>>) target(%arg15 : memref<512xf32, #tpu.memory_space<vmem>>) offsets(%arg11 : memref<512xi32, #tpu.memory_space<vmem>>) semaphore(%arg18 : memref<!tpu.dma_semaphore, #tpu.memory_space<semaphore_mem>>)
    %dma_wait3A_31 = arith.constant 0 : i32
    %dma_wait3A_32 = tpu.memref_slice %arg4[%dma_wait3A_31] : memref<1000000xf32, #tpu.memory_space<hbm>> -> memref<1000000xf32, #tpu.memory_space<hbm>>
    tpu.wait_indirect_dma semaphore(%arg18 : memref<!tpu.dma_semaphore, #tpu.memory_space<semaphore_mem>>) src(%dma_wait3A_32 : memref<1000000xf32, #tpu.memory_space<hbm>>) dst(%arg12 : memref<512xf32, #tpu.memory_space<vmem>>)
    %dma_wait3A_33 = arith.constant 0 : i32
    %dma_wait3A_34 = tpu.memref_slice %arg5[%dma_wait3A_33] : memref<1000000xf32, #tpu.memory_space<hbm>> -> memref<1000000xf32, #tpu.memory_space<hbm>>
    tpu.wait_indirect_dma semaphore(%arg18 : memref<!tpu.dma_semaphore, #tpu.memory_space<semaphore_mem>>) src(%dma_wait3A_34 : memref<1000000xf32, #tpu.memory_space<hbm>>) dst(%arg13 : memref<512xf32, #tpu.memory_space<vmem>>)
    %dma_wait3A_35 = arith.constant 0 : i32
    %dma_wait3A_36 = tpu.memref_slice %arg6[%dma_wait3A_35] : memref<1000000xf32, #tpu.memory_space<hbm>> -> memref<1000000xf32, #tpu.memory_space<hbm>>
    tpu.wait_indirect_dma semaphore(%arg18 : memref<!tpu.dma_semaphore, #tpu.memory_space<semaphore_mem>>) src(%dma_wait3A_36 : memref<1000000xf32, #tpu.memory_space<hbm>>) dst(%arg14 : memref<512xf32, #tpu.memory_space<vmem>>)
    %dma_wait3A_37 = arith.constant 0 : i32
    %dma_wait3A_38 = tpu.memref_slice %arg7[%dma_wait3A_37] : memref<1000000xf32, #tpu.memory_space<hbm>> -> memref<1000000xf32, #tpu.memory_space<hbm>>
    tpu.wait_indirect_dma semaphore(%arg18 : memref<!tpu.dma_semaphore, #tpu.memory_space<semaphore_mem>>) src(%dma_wait3A_38 : memref<1000000xf32, #tpu.memory_space<hbm>>) dst(%arg15 : memref<512xf32, #tpu.memory_space<vmem>>)
    %get3A = arith.constant 0 : index
    %get3A_39 = tpu.vector_load %arg17[%get3A] {strides = array<i32>} : memref<16xf32, #tpu.memory_space<vmem>>, vector<16xf32>,
    %get3A_40 = vector.shape_cast %get3A_39 : vector<16xf32> to vector<16xf32>
    %get3A_41 = arith.constant 0 : index
    %get3A_42 = tpu.vector_load %arg12[%get3A_41] {strides = array<i32>} : memref<512xf32, #tpu.memory_space<vmem>>, vector<16xf32>,
    %get3A_43 = vector.shape_cast %get3A_42 : vector<16xf32> to vector<16xf32>
    %get3A_44 = arith.constant 0 : index
    %get3A_45 = tpu.vector_load %arg13[%get3A_44] {strides = array<i32>} : memref<512xf32, #tpu.memory_space<vmem>>, vector<16xf32>,
    %get3A_46 = vector.shape_cast %get3A_45 : vector<16xf32> to vector<16xf32>
    %mul3A_47 = arith.mulf %get3A_43, %get3A_46 : vector<16xf32>
    %get3A_48 = arith.constant 0 : index
    %get3A_49 = tpu.vector_load %arg14[%get3A_48] {strides = array<i32>} : memref<512xf32, #tpu.memory_space<vmem>>, vector<16xf32>,
    %get3A_50 = vector.shape_cast %get3A_49 : vector<16xf32> to vector<16xf32>
    %add3A_51 = arith.addf %mul3A_47, %get3A_50 : vector<16xf32>
    %get3A_52 = arith.constant 0 : index
    %get3A_53 = tpu.vector_load %arg15[%get3A_52] {strides = array<i32>} : memref<512xf32, #tpu.memory_space<vmem>>, vector<16xf32>,
    %get3A_54 = vector.shape_cast %get3A_53 : vector<16xf32> to vector<16xf32>
    %add3A_55 = arith.addf %add3A_51, %get3A_54 : vector<16xf32>
    %add3A_56 = arith.addf %add3A_55, %get3A_40 : vector<16xf32>
    %neg3A = arith.constant 0.000000e+00 : f32
    %neg3A_57 = vector.broadcast %neg3A : f32 to vector<16xf32>
    %neg3A_58 = arith.subf %neg3A_57, %add3A_56 : vector<16xf32>
    %exp3A = math.exp %neg3A_58 : vector<16xf32>
    %add3A_59 = arith.constant 1.000000e+00 : f32
    %add3A_60 = vector.broadcast %add3A_59 : f32 to vector<16xf32>
    %add3A_61 = arith.addf %add3A_60, %exp3A : vector<16xf32>
    %div3A = arith.constant 1.000000e+00 : f32
    %div3A_62 = vector.broadcast %div3A : f32 to vector<16xf32>
    %div3A_63 = arith.divf %div3A_62, %add3A_61 : vector<16xf32>
    %swap3A = arith.constant 0 : index
    %swap3A_64 = tpu.vector_load %arg16[%swap3A] {strides = array<i32>} : memref<512xf32, #tpu.memory_space<vmem>>, vector<16xf32>,
    %swap3A_65 = vector.shape_cast %swap3A_64 : vector<16xf32> to vector<16xf32>
    %swap3A_66 = vector.shape_cast %div3A_63 : vector<16xf32> to vector<16xf32>
    tpu.vector_store %arg16[%swap3A], %swap3A_66 {strides = array<i32>} : memref<512xf32, #tpu.memory_space<vmem>>, vector<16xf32>,
    %get3A_67 = arith.constant 16 : index
    %get3A_68 = tpu.vector_load %arg12[%get3A_67] {strides = array<i32>} : memref<512xf32, #tpu.memory_space<vmem>>, vector<16xf32>,
    %get3A_69 = vector.shape_cast %get3A_68 : vector<16xf32> to vector<16xf32>
    %get3A_70 = arith.constant 16 : index
    %get3A_71 = tpu.vector_load %arg13[%get3A_70] {strides = array<i32>} : memref<512xf32, #tpu.memory_space<vmem>>, vector<16xf32>,
    %get3A_72 = vector.shape_cast %get3A_71 : vector<16xf32> to vector<16xf32>
    %mul3A_73 = arith.mulf %get3A_69, %get3A_72 : vector<16xf32>
    %get3A_74 = arith.constant 16 : index
    %get3A_75 = tpu.vector_load %arg14[%get3A_74] {strides = array<i32>} : memref<512xf32, #tpu.memory_space<vmem>>, vector<16xf32>,
    %get3A_76 = vector.shape_cast %get3A_75 : vector<16xf32> to vector<16xf32>
    %add3A_77 = arith.addf %mul3A_73, %get3A_76 : vector<16xf32>
    %get3A_78 = arith.constant 16 : index
    %get3A_79 = tpu.vector_load %arg15[%get3A_78] {strides = array<i32>} : memref<512xf32, #tpu.memory_space<vmem>>, vector<16xf32>,
    %get3A_80 = vector.shape_cast %get3A_79 : vector<16xf32> to vector<16xf32>
    %add3A_81 = arith.addf %add3A_77, %get3A_80 : vector<16xf32>
    %add3A_82 = arith.addf %add3A_81, %get3A_40 : vector<16xf32>
    %neg3A_83 = arith.constant 0.000000e+00 : f32
    %neg3A_84 = vector.broadcast %neg3A_83 : f32 to vector<16xf32>
    %neg3A_85 = arith.subf %neg3A_84, %add3A_82 : vector<16xf32>
    %exp3A_86 = math.exp %neg3A_85 : vector<16xf32>
    %add3A_87 = arith.constant 1.000000e+00 : f32
    %add3A_88 = vector.broadcast %add3A_87 : f32 to vector<16xf32>
    %add3A_89 = arith.addf %add3A_88, %exp3A_86 : vector<16xf32>
    %div3A_90 = arith.constant 1.000000e+00 : f32
    %div3A_91 = vector.broadcast %div3A_90 : f32 to vector<16xf32>
    %div3A_92 = arith.divf %div3A_91, %add3A_89 : vector<16xf32>
    %swap3A_93 = arith.constant 16 : index
    %swap3A_94 = tpu.vector_load %arg16[%swap3A_93] {strides = array<i32>} : memref<512xf32, #tpu.memory_space<vmem>>, vector<16xf32>,
    %swap3A_95 = vector.shape_cast %swap3A_94 : vector<16xf32> to vector<16xf32>
    %swap3A_96 = vector.shape_cast %div3A_92 : vector<16xf32> to vector<16xf32>
    tpu.vector_store %arg16[%swap3A_93], %swap3A_96 {strides = array<i32>} : memref<512xf32, #tpu.memory_space<vmem>>, vector<16xf32>,
    %get3A_97 = arith.constant 32 : index
    %get3A_98 = tpu.vector_load %arg12[%get3A_97] {strides = array<i32>} : memref<512xf32, #tpu.memory_space<vmem>>, vector<16xf32>,
    %get3A_99 = vector.shape_cast %get3A_98 : vector<16xf32> to vector<16xf32>
    %get3A_100 = arith.constant 32 : index
    %get3A_101 = tpu.vector_load %arg13[%get3A_100] {strides = array<i32>} : memref<512xf32, #tpu.memory_space<vmem>>, vector<16xf32>,
    %get3A_102 = vector.shape_cast %get3A_101 : vector<16xf32> to vector<16xf32>
    %mul3A_103 = arith.mulf %get3A_99, %get3A_102 : vector<16xf32>
    %get3A_104 = arith.constant 32 : index
    %get3A_105 = tpu.vector_load %arg14[%get3A_104] {strides = array<i32>} : memref<512xf32, #tpu.memory_space<vmem>>, vector<16xf32>,
    %get3A_106 = vector.shape_cast %get3A_105 : vector<16xf32> to vector<16xf32>
    %add3A_107 = arith.addf %mul3A_103, %get3A_106 : vector<16xf32>
    %get3A_108 = arith.constant 32 : index
    %get3A_109 = tpu.vector_load %arg15[%get3A_108] {strides = array<i32>} : memref<512xf32, #tpu.memory_space<vmem>>, vector<16xf32>,
    %get3A_110 = vector.shape_cast %get3A_109 : vector<16xf32> to vector<16xf32>
    %add3A_111 = arith.addf %add3A_107, %get3A_110 : vector<16xf32>
    %add3A_112 = arith.addf %add3A_111, %get3A_40 : vector<16xf32>
    %neg3A_113 = arith.constant 0.000000e+00 : f32
    %neg3A_114 = vector.broadcast %neg3A_113 : f32 to vector<16xf32>
    %neg3A_115 = arith.subf %neg3A_114, %add3A_112 : vector<16xf32>
    %exp3A_116 = math.exp %neg3A_115 : vector<16xf32>
    %add3A_117 = arith.constant 1.000000e+00 : f32
    %add3A_118 = vector.broadcast %add3A_117 : f32 to vector<16xf32>
    %add3A_119 = arith.addf %add3A_118, %exp3A_116 : vector<16xf32>
    %div3A_120 = arith.constant 1.000000e+00 : f32
    %div3A_121 = vector.broadcast %div3A_120 : f32 to vector<16xf32>
    %div3A_122 = arith.divf %div3A_121, %add3A_119 : vector<16xf32>
    %swap3A_123 = arith.constant 32 : index
    %swap3A_124 = tpu.vector_load %arg16[%swap3A_123] {strides = array<i32>} : memref<512xf32, #tpu.memory_space<vmem>>, vector<16xf32>,
    %swap3A_125 = vector.shape_cast %swap3A_124 : vector<16xf32> to vector<16xf32>
    %swap3A_126 = vector.shape_cast %div3A_122 : vector<16xf32> to vector<16xf32>
    tpu.vector_store %arg16[%swap3A_123], %swap3A_126 {strides = array<i32>} : memref<512xf32, #tpu.memory_space<vmem>>, vector<16xf32>,
    %get3A_127 = arith.constant 48 : index
    %get3A_128 = tpu.vector_load %arg12[%get3A_127] {strides = array<i32>} : memref<512xf32, #tpu.memory_space<vmem>>, vector<16xf32>,
    %get3A_129 = vector.shape_cast %get3A_128 : vector<16xf32> to vector<16xf32>
    %get3A_130 = arith.constant 48 : index
    %get3A_131 = tpu.vector_load %arg13[%get3A_130] {strides = array<i32>} : memref<512xf32, #tpu.memory_space<vmem>>, vector<16xf32>,
    %get3A_132 = vector.shape_cast %get3A_131 : vector<16xf32> to vector<16xf32>
    %mul3A_133 = arith.mulf %get3A_129, %get3A_132 : vector<16xf32>
    %get3A_134 = arith.constant 48 : index
    %get3A_135 = tpu.vector_load %arg14[%get3A_134] {strides = array<i32>} : memref<512xf32, #tpu.memory_space<vmem>>, vector<16xf32>,
    %get3A_136 = vector.shape_cast %get3A_135 : vector<16xf32> to vector<16xf32>
    %add3A_137 = arith.addf %mul3A_133, %get3A_136 : vector<16xf32>
    %get3A_138 = arith.constant 48 : index
    %get3A_139 = tpu.vector_load %arg15[%get3A_138] {strides = array<i32>} : memref<512xf32, #tpu.memory_space<vmem>>, vector<16xf32>,
    %get3A_140 = vector.shape_cast %get3A_139 : vector<16xf32> to vector<16xf32>
    %add3A_141 = arith.addf %add3A_137, %get3A_140 : vector<16xf32>
    %add3A_142 = arith.addf %add3A_141, %get3A_40 : vector<16xf32>
    %neg3A_143 = arith.constant 0.000000e+00 : f32
    %neg3A_144 = vector.broadcast %neg3A_143 : f32 to vector<16xf32>
    %neg3A_145 = arith.subf %neg3A_144, %add3A_142 : vector<16xf32>
    %exp3A_146 = math.exp %neg3A_145 : vector<16xf32>
    %add3A_147 = arith.constant 1.000000e+00 : f32
    %add3A_148 = vector.broadcast %add3A_147 : f32 to vector<16xf32>
    %add3A_149 = arith.addf %add3A_148, %exp3A_146 : vector<16xf32>
    %div3A_150 = arith.constant 1.000000e+00 : f32
    %div3A_151 = vector.broadcast %div3A_150 : f32 to vector<16xf32>
    %div3A_152 = arith.divf %div3A_151, %add3A_149 : vector<16xf32>
    %swap3A_153 = arith.constant 48 : index
    %swap3A_154 = tpu.vector_load %arg16[%swap3A_153] {strides = array<i32>} : memref<512xf32, #tpu.memory_space<vmem>>, vector<16xf32>,
    %swap3A_155 = vector.shape_cast %swap3A_154 : vector<16xf32> to vector<16xf32>
    %swap3A_156 = vector.shape_cast %div3A_152 : vector<16xf32> to vector<16xf32>
    tpu.vector_store %arg16[%swap3A_153], %swap3A_156 {strides = array<i32>} : memref<512xf32, #tpu.memory_space<vmem>>, vector<16xf32>,
    %get3A_157 = arith.constant 64 : index
    %get3A_158 = tpu.vector_load %arg12[%get3A_157] {strides = array<i32>} : memref<512xf32, #tpu.memory_space<vmem>>, vector<16xf32>,
    %get3A_159 = vector.shape_cast %get3A_158 : vector<16xf32> to vector<16xf32>
    %get3A_160 = arith.constant 64 : index
    %get3A_161 = tpu.vector_load %arg13[%get3A_160] {strides = array<i32>} : memref<512xf32, #tpu.memory_space<vmem>>, vector<16xf32>,
    %get3A_162 = vector.shape_cast %get3A_161 : vector<16xf32> to vector<16xf32>
    %mul3A_163 = arith.mulf %get3A_159, %get3A_162 : vector<16xf32>
    %get3A_164 = arith.constant 64 : index
    %get3A_165 = tpu.vector_load %arg14[%get3A_164] {strides = array<i32>} : memref<512xf32, #tpu.memory_space<vmem>>, vector<16xf32>,
    %get3A_166 = vector.shape_cast %get3A_165 : vector<16xf32> to vector<16xf32>
    %add3A_167 = arith.addf %mul3A_163, %get3A_166 : vector<16xf32>
    %get3A_168 = arith.constant 64 : index
    %get3A_169 = tpu.vector_load %arg15[%get3A_168] {strides = array<i32>} : memref<512xf32, #tpu.memory_space<vmem>>, vector<16xf32>,
    %get3A_170 = vector.shape_cast %get3A_169 : vector<16xf32> to vector<16xf32>
    %add3A_171 = arith.addf %add3A_167, %get3A_170 : vector<16xf32>
    %add3A_172 = arith.addf %add3A_171, %get3A_40 : vector<16xf32>
    %neg3A_173 = arith.constant 0.000000e+00 : f32
    %neg3A_174 = vector.broadcast %neg3A_173 : f32 to vector<16xf32>
    %neg3A_175 = arith.subf %neg3A_174, %add3A_172 : vector<16xf32>
    %exp3A_176 = math.exp %neg3A_175 : vector<16xf32>
    %add3A_177 = arith.constant 1.000000e+00 : f32
    %add3A_178 = vector.broadcast %add3A_177 : f32 to vector<16xf32>
    %add3A_179 = arith.addf %add3A_178, %exp3A_176 : vector<16xf32>
    %div3A_180 = arith.constant 1.000000e+00 : f32
    %div3A_181 = vector.broadcast %div3A_180 : f32 to vector<16xf32>
    %div3A_182 = arith.divf %div3A_181, %add3A_179 : vector<16xf32>
    %swap3A_183 = arith.constant 64 : index
    %swap3A_184 = tpu.vector_load %arg16[%swap3A_183] {strides = array<i32>} : memref<512xf32, #tpu.memory_space<vmem>>, vector<16xf32>,
    %swap3A_185 = vector.shape_cast %swap3A_184 : vector<16xf32> to vector<16xf32>
    %swap3A_186 = vector.shape_cast %div3A_182 : vector<16xf32> to vector<16xf32>
    tpu.vector_store %arg16[%swap3A_183], %swap3A_186 {strides = array<i32>} : memref<512xf32, #tpu.memory_space<vmem>>, vector<16xf32>,
    %get3A_187 = arith.constant 80 : index
    %get3A_188 = tpu.vector_load %arg12[%get3A_187] {strides = array<i32>} : memref<512xf32, #tpu.memory_space<vmem>>, vector<16xf32>,
    %get3A_189 = vector.shape_cast %get3A_188 : vector<16xf32> to vector<16xf32>
    %get3A_190 = arith.constant 80 : index
    %get3A_191 = tpu.vector_load %arg13[%get3A_190] {strides = array<i32>} : memref<512xf32, #tpu.memory_space<vmem>>, vector<16xf32>,
    %get3A_192 = vector.shape_cast %get3A_191 : vector<16xf32> to vector<16xf32>
    %mul3A_193 = arith.mulf %get3A_189, %get3A_192 : vector<16xf32>
    %get3A_194 = arith.constant 80 : index
    %get3A_195 = tpu.vector_load %arg14[%get3A_194] {strides = array<i32>} : memref<512xf32, #tpu.memory_space<vmem>>, vector<16xf32>,
    %get3A_196 = vector.shape_cast %get3A_195 : vector<16xf32> to vector<16xf32>
    %add3A_197 = arith.addf %mul3A_193, %get3A_196 : vector<16xf32>
    %get3A_198 = arith.constant 80 : index
    %get3A_199 = tpu.vector_load %arg15[%get3A_198] {strides = array<i32>} : memref<512xf32, #tpu.memory_space<vmem>>, vector<16xf32>,
    %get3A_200 = vector.shape_cast %get3A_199 : vector<16xf32> to vector<16xf32>
    %add3A_201 = arith.addf %add3A_197, %get3A_200 : vector<16xf32>
    %add3A_202 = arith.addf %add3A_201, %get3A_40 : vector<16xf32>
    %neg3A_203 = arith.constant 0.000000e+00 : f32
    %neg3A_204 = vector.broadcast %neg3A_203 : f32 to vector<16xf32>
    %neg3A_205 = arith.subf %neg3A_204, %add3A_202 : vector<16xf32>
    %exp3A_206 = math.exp %neg3A_205 : vector<16xf32>
    %add3A_207 = arith.constant 1.000000e+00 : f32
    %add3A_208 = vector.broadcast %add3A_207 : f32 to vector<16xf32>
    %add3A_209 = arith.addf %add3A_208, %exp3A_206 : vector<16xf32>
    %div3A_210 = arith.constant 1.000000e+00 : f32
    %div3A_211 = vector.broadcast %div3A_210 : f32 to vector<16xf32>
    %div3A_212 = arith.divf %div3A_211, %add3A_209 : vector<16xf32>
    %swap3A_213 = arith.constant 80 : index
    %swap3A_214 = tpu.vector_load %arg16[%swap3A_213] {strides = array<i32>} : memref<512xf32, #tpu.memory_space<vmem>>, vector<16xf32>,
    %swap3A_215 = vector.shape_cast %swap3A_214 : vector<16xf32> to vector<16xf32>
    %swap3A_216 = vector.shape_cast %div3A_212 : vector<16xf32> to vector<16xf32>
    tpu.vector_store %arg16[%swap3A_213], %swap3A_216 {strides = array<i32>} : memref<512xf32, #tpu.memory_space<vmem>>, vector<16xf32>,
    %get3A_217 = arith.constant 96 : index
    %get3A_218 = tpu.vector_load %arg12[%get3A_217] {strides = array<i32>} : memref<512xf32, #tpu.memory_space<vmem>>, vector<16xf32>,
    %get3A_219 = vector.shape_cast %get3A_218 : vector<16xf32> to vector<16xf32>
    %get3A_220 = arith.constant 96 : index
    %get3A_221 = tpu.vector_load %arg13[%get3A_220] {strides = array<i32>} : memref<512xf32, #tpu.memory_space<vmem>>, vector<16xf32>,
    %get3A_222 = vector.shape_cast %get3A_221 : vector<16xf32> to vector<16xf32>
    %mul3A_223 = arith.mulf %get3A_219, %get3A_222 : vector<16xf32>
    %get3A_224 = arith.constant 96 : index
    %get3A_225 = tpu.vector_load %arg14[%get3A_224] {strides = array<i32>} : memref<512xf32, #tpu.memory_space<vmem>>, vector<16xf32>,
    %get3A_226 = vector.shape_cast %get3A_225 : vector<16xf32> to vector<16xf32>
    %add3A_227 = arith.addf %mul3A_223, %get3A_226 : vector<16xf32>
    %get3A_228 = arith.constant 96 : index
    %get3A_229 = tpu.vector_load %arg15[%get3A_228] {strides = array<i32>} : memref<512xf32, #tpu.memory_space<vmem>>, vector<16xf32>,
    %get3A_230 = vector.shape_cast %get3A_229 : vector<16xf32> to vector<16xf32>
    %add3A_231 = arith.addf %add3A_227, %get3A_230 : vector<16xf32>
    %add3A_232 = arith.addf %add3A_231, %get3A_40 : vector<16xf32>
    %neg3A_233 = arith.constant 0.000000e+00 : f32
    %neg3A_234 = vector.broadcast %neg3A_233 : f32 to vector<16xf32>
    %neg3A_235 = arith.subf %neg3A_234, %add3A_232 : vector<16xf32>
    %exp3A_236 = math.exp %neg3A_235 : vector<16xf32>
    %add3A_237 = arith.constant 1.000000e+00 : f32
    %add3A_238 = vector.broadcast %add3A_237 : f32 to vector<16xf32>
    %add3A_239 = arith.addf %add3A_238, %exp3A_236 : vector<16xf32>
    %div3A_240 = arith.constant 1.000000e+00 : f32
    %div3A_241 = vector.broadcast %div3A_240 : f32 to vector<16xf32>
    %div3A_242 = arith.divf %div3A_241, %add3A_239 : vector<16xf32>
    %swap3A_243 = arith.constant 96 : index
    %swap3A_244 = tpu.vector_load %arg16[%swap3A_243] {strides = array<i32>} : memref<512xf32, #tpu.memory_space<vmem>>, vector<16xf32>,
    %swap3A_245 = vector.shape_cast %swap3A_244 : vector<16xf32> to vector<16xf32>
    %swap3A_246 = vector.shape_cast %div3A_242 : vector<16xf32> to vector<16xf32>
    tpu.vector_store %arg16[%swap3A_243], %swap3A_246 {strides = array<i32>} : memref<512xf32, #tpu.memory_space<vmem>>, vector<16xf32>,
    %get3A_247 = arith.constant 112 : index
    %get3A_248 = tpu.vector_load %arg12[%get3A_247] {strides = array<i32>} : memref<512xf32, #tpu.memory_space<vmem>>, vector<16xf32>,
    %get3A_249 = vector.shape_cast %get3A_248 : vector<16xf32> to vector<16xf32>
    %get3A_250 = arith.constant 112 : index
    %get3A_251 = tpu.vector_load %arg13[%get3A_250] {strides = array<i32>} : memref<512xf32, #tpu.memory_space<vmem>>, vector<16xf32>,
    %get3A_252 = vector.shape_cast %get3A_251 : vector<16xf32> to vector<16xf32>
    %mul3A_253 = arith.mulf %get3A_249, %get3A_252 : vector<16xf32>
    %get3A_254 = arith.constant 112 : index
    %get3A_255 = tpu.vector_load %arg14[%get3A_254] {strides = array<i32>} : memref<512xf32, #tpu.memory_space<vmem>>, vector<16xf32>,
    %get3A_256 = vector.shape_cast %get3A_255 : vector<16xf32> to vector<16xf32>
    %add3A_257 = arith.addf %mul3A_253, %get3A_256 : vector<16xf32>
    %get3A_258 = arith.constant 112 : index
    %get3A_259 = tpu.vector_load %arg15[%get3A_258] {strides = array<i32>} : memref<512xf32, #tpu.memory_space<vmem>>, vector<16xf32>,
    %get3A_260 = vector.shape_cast %get3A_259 : vector<16xf32> to vector<16xf32>
    %add3A_261 = arith.addf %add3A_257, %get3A_260 : vector<16xf32>
    %add3A_262 = arith.addf %add3A_261, %get3A_40 : vector<16xf32>
    %neg3A_263 = arith.constant 0.000000e+00 : f32
    %neg3A_264 = vector.broadcast %neg3A_263 : f32 to vector<16xf32>
    %neg3A_265 = arith.subf %neg3A_264, %add3A_262 : vector<16xf32>
    %exp3A_266 = math.exp %neg3A_265 : vector<16xf32>
    %add3A_267 = arith.constant 1.000000e+00 : f32
    %add3A_268 = vector.broadcast %add3A_267 : f32 to vector<16xf32>
    %add3A_269 = arith.addf %add3A_268, %exp3A_266 : vector<16xf32>
    %div3A_270 = arith.constant 1.000000e+00 : f32
    %div3A_271 = vector.broadcast %div3A_270 : f32 to vector<16xf32>
    %div3A_272 = arith.divf %div3A_271, %add3A_269 : vector<16xf32>
    %swap3A_273 = arith.constant 112 : index
    %swap3A_274 = tpu.vector_load %arg16[%swap3A_273] {strides = array<i32>} : memref<512xf32, #tpu.memory_space<vmem>>, vector<16xf32>,
    %swap3A_275 = vector.shape_cast %swap3A_274 : vector<16xf32> to vector<16xf32>
    %swap3A_276 = vector.shape_cast %div3A_272 : vector<16xf32> to vector<16xf32>
    tpu.vector_store %arg16[%swap3A_273], %swap3A_276 {strides = array<i32>} : memref<512xf32, #tpu.memory_space<vmem>>, vector<16xf32>,
    %get3A_277 = arith.constant 128 : index
    %get3A_278 = tpu.vector_load %arg12[%get3A_277] {strides = array<i32>} : memref<512xf32, #tpu.memory_space<vmem>>, vector<16xf32>,
    %get3A_279 = vector.shape_cast %get3A_278 : vector<16xf32> to vector<16xf32>
    %get3A_280 = arith.constant 128 : index
    %get3A_281 = tpu.vector_load %arg13[%get3A_280] {strides = array<i32>} : memref<512xf32, #tpu.memory_space<vmem>>, vector<16xf32>,
    %get3A_282 = vector.shape_cast %get3A_281 : vector<16xf32> to vector<16xf32>
    %mul3A_283 = arith.mulf %get3A_279, %get3A_282 : vector<16xf32>
    %get3A_284 = arith.constant 128 : index
    %get3A_285 = tpu.vector_load %arg14[%get3A_284] {strides = array<i32>} : memref<512xf32, #tpu.memory_space<vmem>>, vector<16xf32>,
    %get3A_286 = vector.shape_cast %get3A_285 : vector<16xf32> to vector<16xf32>
    %add3A_287 = arith.addf %mul3A_283, %get3A_286 : vector<16xf32>
    %get3A_288 = arith.constant 128 : index
    %get3A_289 = tpu.vector_load %arg15[%get3A_288] {strides = array<i32>} : memref<512xf32, #tpu.memory_space<vmem>>, vector<16xf32>,
    %get3A_290 = vector.shape_cast %get3A_289 : vector<16xf32> to vector<16xf32>
    %add3A_291 = arith.addf %add3A_287, %get3A_290 : vector<16xf32>
    %add3A_292 = arith.addf %add3A_291, %get3A_40 : vector<16xf32>
    %neg3A_293 = arith.constant 0.000000e+00 : f32
    %neg3A_294 = vector.broadcast %neg3A_293 : f32 to vector<16xf32>
    %neg3A_295 = arith.subf %neg3A_294, %add3A_292 : vector<16xf32>
    %exp3A_296 = math.exp %neg3A_295 : vector<16xf32>
    %add3A_297 = arith.constant 1.000000e+00 : f32
    %add3A_298 = vector.broadcast %add3A_297 : f32 to vector<16xf32>
    %add3A_299 = arith.addf %add3A_298, %exp3A_296 : vector<16xf32>
    %div3A_300 = arith.constant 1.000000e+00 : f32
    %div3A_301 = vector.broadcast %div3A_300 : f32 to vector<16xf32>
    %div3A_302 = arith.divf %div3A_301, %add3A_299 : vector<16xf32>
    %swap3A_303 = arith.constant 128 : index
    %swap3A_304 = tpu.vector_load %arg16[%swap3A_303] {strides = array<i32>} : memref<512xf32, #tpu.memory_space<vmem>>, vector<16xf32>,
    %swap3A_305 = vector.shape_cast %swap3A_304 : vector<16xf32> to vector<16xf32>
    %swap3A_306 = vector.shape_cast %div3A_302 : vector<16xf32> to vector<16xf32>
    tpu.vector_store %arg16[%swap3A_303], %swap3A_306 {strides = array<i32>} : memref<512xf32, #tpu.memory_space<vmem>>, vector<16xf32>,
    %get3A_307 = arith.constant 144 : index
    %get3A_308 = tpu.vector_load %arg12[%get3A_307] {strides = array<i32>} : memref<512xf32, #tpu.memory_space<vmem>>, vector<16xf32>,
    %get3A_309 = vector.shape_cast %get3A_308 : vector<16xf32> to vector<16xf32>
    %get3A_310 = arith.constant 144 : index
    %get3A_311 = tpu.vector_load %arg13[%get3A_310] {strides = array<i32>} : memref<512xf32, #tpu.memory_space<vmem>>, vector<16xf32>,
    %get3A_312 = vector.shape_cast %get3A_311 : vector<16xf32> to vector<16xf32>
    %mul3A_313 = arith.mulf %get3A_309, %get3A_312 : vector<16xf32>
    %get3A_314 = arith.constant 144 : index
    %get3A_315 = tpu.vector_load %arg14[%get3A_314] {strides = array<i32>} : memref<512xf32, #tpu.memory_space<vmem>>, vector<16xf32>,
    %get3A_316 = vector.shape_cast %get3A_315 : vector<16xf32> to vector<16xf32>
    %add3A_317 = arith.addf %mul3A_313, %get3A_316 : vector<16xf32>
    %get3A_318 = arith.constant 144 : index
    %get3A_319 = tpu.vector_load %arg15[%get3A_318] {strides = array<i32>} : memref<512xf32, #tpu.memory_space<vmem>>, vector<16xf32>,
    %get3A_320 = vector.shape_cast %get3A_319 : vector<16xf32> to vector<16xf32>
    %add3A_321 = arith.addf %add3A_317, %get3A_320 : vector<16xf32>
    %add3A_322 = arith.addf %add3A_321, %get3A_40 : vector<16xf32>
    %neg3A_323 = arith.constant 0.000000e+00 : f32
    %neg3A_324 = vector.broadcast %neg3A_323 : f32 to vector<16xf32>
    %neg3A_325 = arith.subf %neg3A_324, %add3A_322 : vector<16xf32>
    %exp3A_326 = math.exp %neg3A_325 : vector<16xf32>
    %add3A_327 = arith.constant 1.000000e+00 : f32
    %add3A_328 = vector.broadcast %add3A_327 : f32 to vector<16xf32>
    %add3A_329 = arith.addf %add3A_328, %exp3A_326 : vector<16xf32>
    %div3A_330 = arith.constant 1.000000e+00 : f32
    %div3A_331 = vector.broadcast %div3A_330 : f32 to vector<16xf32>
    %div3A_332 = arith.divf %div3A_331, %add3A_329 : vector<16xf32>
    %swap3A_333 = arith.constant 144 : index
    %swap3A_334 = tpu.vector_load %arg16[%swap3A_333] {strides = array<i32>} : memref<512xf32, #tpu.memory_space<vmem>>, vector<16xf32>,
    %swap3A_335 = vector.shape_cast %swap3A_334 : vector<16xf32> to vector<16xf32>
    %swap3A_336 = vector.shape_cast %div3A_332 : vector<16xf32> to vector<16xf32>
    tpu.vector_store %arg16[%swap3A_333], %swap3A_336 {strides = array<i32>} : memref<512xf32, #tpu.memory_space<vmem>>, vector<16xf32>,
    %get3A_337 = arith.constant 160 : index
    %get3A_338 = tpu.vector_load %arg12[%get3A_337] {strides = array<i32>} : memref<512xf32, #tpu.memory_space<vmem>>, vector<16xf32>,
    %get3A_339 = vector.shape_cast %get3A_338 : vector<16xf32> to vector<16xf32>
    %get3A_340 = arith.constant 160 : index
    %get3A_341 = tpu.vector_load %arg13[%get3A_340] {strides = array<i32>} : memref<512xf32, #tpu.memory_space<vmem>>, vector<16xf32>,
    %get3A_342 = vector.shape_cast %get3A_341 : vector<16xf32> to vector<16xf32>
    %mul3A_343 = arith.mulf %get3A_339, %get3A_342 : vector<16xf32>
    %get3A_344 = arith.constant 160 : index
    %get3A_345 = tpu.vector_load %arg14[%get3A_344] {strides = array<i32>} : memref<512xf32, #tpu.memory_space<vmem>>, vector<16xf32>,
    %get3A_346 = vector.shape_cast %get3A_345 : vector<16xf32> to vector<16xf32>
    %add3A_347 = arith.addf %mul3A_343, %get3A_346 : vector<16xf32>
    %get3A_348 = arith.constant 160 : index
    %get3A_349 = tpu.vector_load %arg15[%get3A_348] {strides = array<i32>} : memref<512xf32, #tpu.memory_space<vmem>>, vector<16xf32>,
    %get3A_350 = vector.shape_cast %get3A_349 : vector<16xf32> to vector<16xf32>
    %add3A_351 = arith.addf %add3A_347, %get3A_350 : vector<16xf32>
    %add3A_352 = arith.addf %add3A_351, %get3A_40 : vector<16xf32>
    %neg3A_353 = arith.constant 0.000000e+00 : f32
    %neg3A_354 = vector.broadcast %neg3A_353 : f32 to vector<16xf32>
    %neg3A_355 = arith.subf %neg3A_354, %add3A_352 : vector<16xf32>
    %exp3A_356 = math.exp %neg3A_355 : vector<16xf32>
    %add3A_357 = arith.constant 1.000000e+00 : f32
    %add3A_358 = vector.broadcast %add3A_357 : f32 to vector<16xf32>
    %add3A_359 = arith.addf %add3A_358, %exp3A_356 : vector<16xf32>
    %div3A_360 = arith.constant 1.000000e+00 : f32
    %div3A_361 = vector.broadcast %div3A_360 : f32 to vector<16xf32>
    %div3A_362 = arith.divf %div3A_361, %add3A_359 : vector<16xf32>
    %swap3A_363 = arith.constant 160 : index
    %swap3A_364 = tpu.vector_load %arg16[%swap3A_363] {strides = array<i32>} : memref<512xf32, #tpu.memory_space<vmem>>, vector<16xf32>,
    %swap3A_365 = vector.shape_cast %swap3A_364 : vector<16xf32> to vector<16xf32>
    %swap3A_366 = vector.shape_cast %div3A_362 : vector<16xf32> to vector<16xf32>
    tpu.vector_store %arg16[%swap3A_363], %swap3A_366 {strides = array<i32>} : memref<512xf32, #tpu.memory_space<vmem>>, vector<16xf32>,
    %get3A_367 = arith.constant 176 : index
    %get3A_368 = tpu.vector_load %arg12[%get3A_367] {strides = array<i32>} : memref<512xf32, #tpu.memory_space<vmem>>, vector<16xf32>,
    %get3A_369 = vector.shape_cast %get3A_368 : vector<16xf32> to vector<16xf32>
    %get3A_370 = arith.constant 176 : index
    %get3A_371 = tpu.vector_load %arg13[%get3A_370] {strides = array<i32>} : memref<512xf32, #tpu.memory_space<vmem>>, vector<16xf32>,
    %get3A_372 = vector.shape_cast %get3A_371 : vector<16xf32> to vector<16xf32>
    %mul3A_373 = arith.mulf %get3A_369, %get3A_372 : vector<16xf32>
    %get3A_374 = arith.constant 176 : index
    %get3A_375 = tpu.vector_load %arg14[%get3A_374] {strides = array<i32>} : memref<512xf32, #tpu.memory_space<vmem>>, vector<16xf32>,
    %get3A_376 = vector.shape_cast %get3A_375 : vector<16xf32> to vector<16xf32>
    %add3A_377 = arith.addf %mul3A_373, %get3A_376 : vector<16xf32>
    %get3A_378 = arith.constant 176 : index
    %get3A_379 = tpu.vector_load %arg15[%get3A_378] {strides = array<i32>} : memref<512xf32, #tpu.memory_space<vmem>>, vector<16xf32>,
    %get3A_380 = vector.shape_cast %get3A_379 : vector<16xf32> to vector<16xf32>
    %add3A_381 = arith.addf %add3A_377, %get3A_380 : vector<16xf32>
    %add3A_382 = arith.addf %add3A_381, %get3A_40 : vector<16xf32>
    %neg3A_383 = arith.constant 0.000000e+00 : f32
    %neg3A_384 = vector.broadcast %neg3A_383 : f32 to vector<16xf32>
    %neg3A_385 = arith.subf %neg3A_384, %add3A_382 : vector<16xf32>
    %exp3A_386 = math.exp %neg3A_385 : vector<16xf32>
    %add3A_387 = arith.constant 1.000000e+00 : f32
    %add3A_388 = vector.broadcast %add3A_387 : f32 to vector<16xf32>
    %add3A_389 = arith.addf %add3A_388, %exp3A_386 : vector<16xf32>
    %div3A_390 = arith.constant 1.000000e+00 : f32
    %div3A_391 = vector.broadcast %div3A_390 : f32 to vector<16xf32>
    %div3A_392 = arith.divf %div3A_391, %add3A_389 : vector<16xf32>
    %swap3A_393 = arith.constant 176 : index
    %swap3A_394 = tpu.vector_load %arg16[%swap3A_393] {strides = array<i32>} : memref<512xf32, #tpu.memory_space<vmem>>, vector<16xf32>,
    %swap3A_395 = vector.shape_cast %swap3A_394 : vector<16xf32> to vector<16xf32>
    %swap3A_396 = vector.shape_cast %div3A_392 : vector<16xf32> to vector<16xf32>
    tpu.vector_store %arg16[%swap3A_393], %swap3A_396 {strides = array<i32>} : memref<512xf32, #tpu.memory_space<vmem>>, vector<16xf32>,
    %get3A_397 = arith.constant 192 : index
    %get3A_398 = tpu.vector_load %arg12[%get3A_397] {strides = array<i32>} : memref<512xf32, #tpu.memory_space<vmem>>, vector<16xf32>,
    %get3A_399 = vector.shape_cast %get3A_398 : vector<16xf32> to vector<16xf32>
    %get3A_400 = arith.constant 192 : index
    %get3A_401 = tpu.vector_load %arg13[%get3A_400] {strides = array<i32>} : memref<512xf32, #tpu.memory_space<vmem>>, vector<16xf32>,
    %get3A_402 = vector.shape_cast %get3A_401 : vector<16xf32> to vector<16xf32>
    %mul3A_403 = arith.mulf %get3A_399, %get3A_402 : vector<16xf32>
    %get3A_404 = arith.constant 192 : index
    %get3A_405 = tpu.vector_load %arg14[%get3A_404] {strides = array<i32>} : memref<512xf32, #tpu.memory_space<vmem>>, vector<16xf32>,
    %get3A_406 = vector.shape_cast %get3A_405 : vector<16xf32> to vector<16xf32>
    %add3A_407 = arith.addf %mul3A_403, %get3A_406 : vector<16xf32>
    %get3A_408 = arith.constant 192 : index
    %get3A_409 = tpu.vector_load %arg15[%get3A_408] {strides = array<i32>} : memref<512xf32, #tpu.memory_space<vmem>>, vector<16xf32>,
    %get3A_410 = vector.shape_cast %get3A_409 : vector<16xf32> to vector<16xf32>
    %add3A_411 = arith.addf %add3A_407, %get3A_410 : vector<16xf32>
    %add3A_412 = arith.addf %add3A_411, %get3A_40 : vector<16xf32>
    %neg3A_413 = arith.constant 0.000000e+00 : f32
    %neg3A_414 = vector.broadcast %neg3A_413 : f32 to vector<16xf32>
    %neg3A_415 = arith.subf %neg3A_414, %add3A_412 : vector<16xf32>
    %exp3A_416 = math.exp %neg3A_415 : vector<16xf32>
    %add3A_417 = arith.constant 1.000000e+00 : f32
    %add3A_418 = vector.broadcast %add3A_417 : f32 to vector<16xf32>
    %add3A_419 = arith.addf %add3A_418, %exp3A_416 : vector<16xf32>
    %div3A_420 = arith.constant 1.000000e+00 : f32
    %div3A_421 = vector.broadcast %div3A_420 : f32 to vector<16xf32>
    %div3A_422 = arith.divf %div3A_421, %add3A_419 : vector<16xf32>
    %swap3A_423 = arith.constant 192 : index
    %swap3A_424 = tpu.vector_load %arg16[%swap3A_423] {strides = array<i32>} : memref<512xf32, #tpu.memory_space<vmem>>, vector<16xf32>,
    %swap3A_425 = vector.shape_cast %swap3A_424 : vector<16xf32> to vector<16xf32>
    %swap3A_426 = vector.shape_cast %div3A_422 : vector<16xf32> to vector<16xf32>
    tpu.vector_store %arg16[%swap3A_423], %swap3A_426 {strides = array<i32>} : memref<512xf32, #tpu.memory_space<vmem>>, vector<16xf32>,
    %get3A_427 = arith.constant 208 : index
    %get3A_428 = tpu.vector_load %arg12[%get3A_427] {strides = array<i32>} : memref<512xf32, #tpu.memory_space<vmem>>, vector<16xf32>,
    %get3A_429 = vector.shape_cast %get3A_428 : vector<16xf32> to vector<16xf32>
    %get3A_430 = arith.constant 208 : index
    %get3A_431 = tpu.vector_load %arg13[%get3A_430] {strides = array<i32>} : memref<512xf32, #tpu.memory_space<vmem>>, vector<16xf32>,
    %get3A_432 = vector.shape_cast %get3A_431 : vector<16xf32> to vector<16xf32>
    %mul3A_433 = arith.mulf %get3A_429, %get3A_432 : vector<16xf32>
    %get3A_434 = arith.constant 208 : index
    %get3A_435 = tpu.vector_load %arg14[%get3A_434] {strides = array<i32>} : memref<512xf32, #tpu.memory_space<vmem>>, vector<16xf32>,
    %get3A_436 = vector.shape_cast %get3A_435 : vector<16xf32> to vector<16xf32>
    %add3A_437 = arith.addf %mul3A_433, %get3A_436 : vector<16xf32>
    %get3A_438 = arith.constant 208 : index
    %get3A_439 = tpu.vector_load %arg15[%get3A_438] {strides = array<i32>} : memref<512xf32, #tpu.memory_space<vmem>>, vector<16xf32>,
    %get3A_440 = vector.shape_cast %get3A_439 : vector<16xf32> to vector<16xf32>
    %add3A_441 = arith.addf %add3A_437, %get3A_440 : vector<16xf32>
    %add3A_442 = arith.addf %add3A_441, %get3A_40 : vector<16xf32>
    %neg3A_443 = arith.constant 0.000000e+00 : f32
    %neg3A_444 = vector.broadcast %neg3A_443 : f32 to vector<16xf32>
    %neg3A_445 = arith.subf %neg3A_444, %add3A_442 : vector<16xf32>
    %exp3A_446 = math.exp %neg3A_445 : vector<16xf32>
    %add3A_447 = arith.constant 1.000000e+00 : f32
    %add3A_448 = vector.broadcast %add3A_447 : f32 to vector<16xf32>
    %add3A_449 = arith.addf %add3A_448, %exp3A_446 : vector<16xf32>
    %div3A_450 = arith.constant 1.000000e+00 : f32
    %div3A_451 = vector.broadcast %div3A_450 : f32 to vector<16xf32>
    %div3A_452 = arith.divf %div3A_451, %add3A_449 : vector<16xf32>
    %swap3A_453 = arith.constant 208 : index
    %swap3A_454 = tpu.vector_load %arg16[%swap3A_453] {strides = array<i32>} : memref<512xf32, #tpu.memory_space<vmem>>, vector<16xf32>,
    %swap3A_455 = vector.shape_cast %swap3A_454 : vector<16xf32> to vector<16xf32>
    %swap3A_456 = vector.shape_cast %div3A_452 : vector<16xf32> to vector<16xf32>
    tpu.vector_store %arg16[%swap3A_453], %swap3A_456 {strides = array<i32>} : memref<512xf32, #tpu.memory_space<vmem>>, vector<16xf32>,
    %get3A_457 = arith.constant 224 : index
    %get3A_458 = tpu.vector_load %arg12[%get3A_457] {strides = array<i32>} : memref<512xf32, #tpu.memory_space<vmem>>, vector<16xf32>,
    %get3A_459 = vector.shape_cast %get3A_458 : vector<16xf32> to vector<16xf32>
    %get3A_460 = arith.constant 224 : index
    %get3A_461 = tpu.vector_load %arg13[%get3A_460] {strides = array<i32>} : memref<512xf32, #tpu.memory_space<vmem>>, vector<16xf32>,
    %get3A_462 = vector.shape_cast %get3A_461 : vector<16xf32> to vector<16xf32>
    %mul3A_463 = arith.mulf %get3A_459, %get3A_462 : vector<16xf32>
    %get3A_464 = arith.constant 224 : index
    %get3A_465 = tpu.vector_load %arg14[%get3A_464] {strides = array<i32>} : memref<512xf32, #tpu.memory_space<vmem>>, vector<16xf32>,
    %get3A_466 = vector.shape_cast %get3A_465 : vector<16xf32> to vector<16xf32>
    %add3A_467 = arith.addf %mul3A_463, %get3A_466 : vector<16xf32>
    %get3A_468 = arith.constant 224 : index
    %get3A_469 = tpu.vector_load %arg15[%get3A_468] {strides = array<i32>} : memref<512xf32, #tpu.memory_space<vmem>>, vector<16xf32>,
    %get3A_470 = vector.shape_cast %get3A_469 : vector<16xf32> to vector<16xf32>
    %add3A_471 = arith.addf %add3A_467, %get3A_470 : vector<16xf32>
    %add3A_472 = arith.addf %add3A_471, %get3A_40 : vector<16xf32>
    %neg3A_473 = arith.constant 0.000000e+00 : f32
    %neg3A_474 = vector.broadcast %neg3A_473 : f32 to vector<16xf32>
    %neg3A_475 = arith.subf %neg3A_474, %add3A_472 : vector<16xf32>
    %exp3A_476 = math.exp %neg3A_475 : vector<16xf32>
    %add3A_477 = arith.constant 1.000000e+00 : f32
    %add3A_478 = vector.broadcast %add3A_477 : f32 to vector<16xf32>
    %add3A_479 = arith.addf %add3A_478, %exp3A_476 : vector<16xf32>
    %div3A_480 = arith.constant 1.000000e+00 : f32
    %div3A_481 = vector.broadcast %div3A_480 : f32 to vector<16xf32>
    %div3A_482 = arith.divf %div3A_481, %add3A_479 : vector<16xf32>
    %swap3A_483 = arith.constant 224 : index
    %swap3A_484 = tpu.vector_load %arg16[%swap3A_483] {strides = array<i32>} : memref<512xf32, #tpu.memory_space<vmem>>, vector<16xf32>,
    %swap3A_485 = vector.shape_cast %swap3A_484 : vector<16xf32> to vector<16xf32>
    %swap3A_486 = vector.shape_cast %div3A_482 : vector<16xf32> to vector<16xf32>
    tpu.vector_store %arg16[%swap3A_483], %swap3A_486 {strides = array<i32>} : memref<512xf32, #tpu.memory_space<vmem>>, vector<16xf32>,
    %get3A_487 = arith.constant 240 : index
    %get3A_488 = tpu.vector_load %arg12[%get3A_487] {strides = array<i32>} : memref<512xf32, #tpu.memory_space<vmem>>, vector<16xf32>,
    %get3A_489 = vector.shape_cast %get3A_488 : vector<16xf32> to vector<16xf32>
    %get3A_490 = arith.constant 240 : index
    %get3A_491 = tpu.vector_load %arg13[%get3A_490] {strides = array<i32>} : memref<512xf32, #tpu.memory_space<vmem>>, vector<16xf32>,
    %get3A_492 = vector.shape_cast %get3A_491 : vector<16xf32> to vector<16xf32>
    %mul3A_493 = arith.mulf %get3A_489, %get3A_492 : vector<16xf32>
    %get3A_494 = arith.constant 240 : index
    %get3A_495 = tpu.vector_load %arg14[%get3A_494] {strides = array<i32>} : memref<512xf32, #tpu.memory_space<vmem>>, vector<16xf32>,
    %get3A_496 = vector.shape_cast %get3A_495 : vector<16xf32> to vector<16xf32>
    %add3A_497 = arith.addf %mul3A_493, %get3A_496 : vector<16xf32>
    %get3A_498 = arith.constant 240 : index
    %get3A_499 = tpu.vector_load %arg15[%get3A_498] {strides = array<i32>} : memref<512xf32, #tpu.memory_space<vmem>>, vector<16xf32>,
    %get3A_500 = vector.shape_cast %get3A_499 : vector<16xf32> to vector<16xf32>
    %add3A_501 = arith.addf %add3A_497, %get3A_500 : vector<16xf32>
    %add3A_502 = arith.addf %add3A_501, %get3A_40 : vector<16xf32>
    %neg3A_503 = arith.constant 0.000000e+00 : f32
    %neg3A_504 = vector.broadcast %neg3A_503 : f32 to vector<16xf32>
    %neg3A_505 = arith.subf %neg3A_504, %add3A_502 : vector<16xf32>
    %exp3A_506 = math.exp %neg3A_505 : vector<16xf32>
    %add3A_507 = arith.constant 1.000000e+00 : f32
    %add3A_508 = vector.broadcast %add3A_507 : f32 to vector<16xf32>
    %add3A_509 = arith.addf %add3A_508, %exp3A_506 : vector<16xf32>
    %div3A_510 = arith.constant 1.000000e+00 : f32
    %div3A_511 = vector.broadcast %div3A_510 : f32 to vector<16xf32>
    %div3A_512 = arith.divf %div3A_511, %add3A_509 : vector<16xf32>
    %swap3A_513 = arith.constant 240 : index
    %swap3A_514 = tpu.vector_load %arg16[%swap3A_513] {strides = array<i32>} : memref<512xf32, #tpu.memory_space<vmem>>, vector<16xf32>,
    %swap3A_515 = vector.shape_cast %swap3A_514 : vector<16xf32> to vector<16xf32>
    %swap3A_516 = vector.shape_cast %div3A_512 : vector<16xf32> to vector<16xf32>
    tpu.vector_store %arg16[%swap3A_513], %swap3A_516 {strides = array<i32>} : memref<512xf32, #tpu.memory_space<vmem>>, vector<16xf32>,
    %get3A_517 = arith.constant 256 : index
    %get3A_518 = tpu.vector_load %arg12[%get3A_517] {strides = array<i32>} : memref<512xf32, #tpu.memory_space<vmem>>, vector<16xf32>,
    %get3A_519 = vector.shape_cast %get3A_518 : vector<16xf32> to vector<16xf32>
    %get3A_520 = arith.constant 256 : index
    %get3A_521 = tpu.vector_load %arg13[%get3A_520] {strides = array<i32>} : memref<512xf32, #tpu.memory_space<vmem>>, vector<16xf32>,
    %get3A_522 = vector.shape_cast %get3A_521 : vector<16xf32> to vector<16xf32>
    %mul3A_523 = arith.mulf %get3A_519, %get3A_522 : vector<16xf32>
    %get3A_524 = arith.constant 256 : index
    %get3A_525 = tpu.vector_load %arg14[%get3A_524] {strides = array<i32>} : memref<512xf32, #tpu.memory_space<vmem>>, vector<16xf32>,
    %get3A_526 = vector.shape_cast %get3A_525 : vector<16xf32> to vector<16xf32>
    %add3A_527 = arith.addf %mul3A_523, %get3A_526 : vector<16xf32>
    %get3A_528 = arith.constant 256 : index
    %get3A_529 = tpu.vector_load %arg15[%get3A_528] {strides = array<i32>} : memref<512xf32, #tpu.memory_space<vmem>>, vector<16xf32>,
    %get3A_530 = vector.shape_cast %get3A_529 : vector<16xf32> to vector<16xf32>
    %add3A_531 = arith.addf %add3A_527, %get3A_530 : vector<16xf32>
    %add3A_532 = arith.addf %add3A_531, %get3A_40 : vector<16xf32>
    %neg3A_533 = arith.constant 0.000000e+00 : f32
    %neg3A_534 = vector.broadcast %neg3A_533 : f32 to vector<16xf32>
    %neg3A_535 = arith.subf %neg3A_534, %add3A_532 : vector<16xf32>
    %exp3A_536 = math.exp %neg3A_535 : vector<16xf32>
    %add3A_537 = arith.constant 1.000000e+00 : f32
    %add3A_538 = vector.broadcast %add3A_537 : f32 to vector<16xf32>
    %add3A_539 = arith.addf %add3A_538, %exp3A_536 : vector<16xf32>
    %div3A_540 = arith.constant 1.000000e+00 : f32
    %div3A_541 = vector.broadcast %div3A_540 : f32 to vector<16xf32>
    %div3A_542 = arith.divf %div3A_541, %add3A_539 : vector<16xf32>
    %swap3A_543 = arith.constant 256 : index
    %swap3A_544 = tpu.vector_load %arg16[%swap3A_543] {strides = array<i32>} : memref<512xf32, #tpu.memory_space<vmem>>, vector<16xf32>,
    %swap3A_545 = vector.shape_cast %swap3A_544 : vector<16xf32> to vector<16xf32>
    %swap3A_546 = vector.shape_cast %div3A_542 : vector<16xf32> to vector<16xf32>
    tpu.vector_store %arg16[%swap3A_543], %swap3A_546 {strides = array<i32>} : memref<512xf32, #tpu.memory_space<vmem>>, vector<16xf32>,
    %get3A_547 = arith.constant 272 : index
    %get3A_548 = tpu.vector_load %arg12[%get3A_547] {strides = array<i32>} : memref<512xf32, #tpu.memory_space<vmem>>, vector<16xf32>,
    %get3A_549 = vector.shape_cast %get3A_548 : vector<16xf32> to vector<16xf32>
    %get3A_550 = arith.constant 272 : index
    %get3A_551 = tpu.vector_load %arg13[%get3A_550] {strides = array<i32>} : memref<512xf32, #tpu.memory_space<vmem>>, vector<16xf32>,
    %get3A_552 = vector.shape_cast %get3A_551 : vector<16xf32> to vector<16xf32>
    %mul3A_553 = arith.mulf %get3A_549, %get3A_552 : vector<16xf32>
    %get3A_554 = arith.constant 272 : index
    %get3A_555 = tpu.vector_load %arg14[%get3A_554] {strides = array<i32>} : memref<512xf32, #tpu.memory_space<vmem>>, vector<16xf32>,
    %get3A_556 = vector.shape_cast %get3A_555 : vector<16xf32> to vector<16xf32>
    %add3A_557 = arith.addf %mul3A_553, %get3A_556 : vector<16xf32>
    %get3A_558 = arith.constant 272 : index
    %get3A_559 = tpu.vector_load %arg15[%get3A_558] {strides = array<i32>} : memref<512xf32, #tpu.memory_space<vmem>>, vector<16xf32>,
    %get3A_560 = vector.shape_cast %get3A_559 : vector<16xf32> to vector<16xf32>
    %add3A_561 = arith.addf %add3A_557, %get3A_560 : vector<16xf32>
    %add3A_562 = arith.addf %add3A_561, %get3A_40 : vector<16xf32>
    %neg3A_563 = arith.constant 0.000000e+00 : f32
    %neg3A_564 = vector.broadcast %neg3A_563 : f32 to vector<16xf32>
    %neg3A_565 = arith.subf %neg3A_564, %add3A_562 : vector<16xf32>
    %exp3A_566 = math.exp %neg3A_565 : vector<16xf32>
    %add3A_567 = arith.constant 1.000000e+00 : f32
    %add3A_568 = vector.broadcast %add3A_567 : f32 to vector<16xf32>
    %add3A_569 = arith.addf %add3A_568, %exp3A_566 : vector<16xf32>
    %div3A_570 = arith.constant 1.000000e+00 : f32
    %div3A_571 = vector.broadcast %div3A_570 : f32 to vector<16xf32>
    %div3A_572 = arith.divf %div3A_571, %add3A_569 : vector<16xf32>
    %swap3A_573 = arith.constant 272 : index
    %swap3A_574 = tpu.vector_load %arg16[%swap3A_573] {strides = array<i32>} : memref<512xf32, #tpu.memory_space<vmem>>, vector<16xf32>,
    %swap3A_575 = vector.shape_cast %swap3A_574 : vector<16xf32> to vector<16xf32>
    %swap3A_576 = vector.shape_cast %div3A_572 : vector<16xf32> to vector<16xf32>
    tpu.vector_store %arg16[%swap3A_573], %swap3A_576 {strides = array<i32>} : memref<512xf32, #tpu.memory_space<vmem>>, vector<16xf32>,
    %get3A_577 = arith.constant 288 : index
    %get3A_578 = tpu.vector_load %arg12[%get3A_577] {strides = array<i32>} : memref<512xf32, #tpu.memory_space<vmem>>, vector<16xf32>,
    %get3A_579 = vector.shape_cast %get3A_578 : vector<16xf32> to vector<16xf32>
    %get3A_580 = arith.constant 288 : index
    %get3A_581 = tpu.vector_load %arg13[%get3A_580] {strides = array<i32>} : memref<512xf32, #tpu.memory_space<vmem>>, vector<16xf32>,
    %get3A_582 = vector.shape_cast %get3A_581 : vector<16xf32> to vector<16xf32>
    %mul3A_583 = arith.mulf %get3A_579, %get3A_582 : vector<16xf32>
    %get3A_584 = arith.constant 288 : index
    %get3A_585 = tpu.vector_load %arg14[%get3A_584] {strides = array<i32>} : memref<512xf32, #tpu.memory_space<vmem>>, vector<16xf32>,
    %get3A_586 = vector.shape_cast %get3A_585 : vector<16xf32> to vector<16xf32>
    %add3A_587 = arith.addf %mul3A_583, %get3A_586 : vector<16xf32>
    %get3A_588 = arith.constant 288 : index
    %get3A_589 = tpu.vector_load %arg15[%get3A_588] {strides = array<i32>} : memref<512xf32, #tpu.memory_space<vmem>>, vector<16xf32>,
    %get3A_590 = vector.shape_cast %get3A_589 : vector<16xf32> to vector<16xf32>
    %add3A_591 = arith.addf %add3A_587, %get3A_590 : vector<16xf32>
    %add3A_592 = arith.addf %add3A_591, %get3A_40 : vector<16xf32>
    %neg3A_593 = arith.constant 0.000000e+00 : f32
    %neg3A_594 = vector.broadcast %neg3A_593 : f32 to vector<16xf32>
    %neg3A_595 = arith.subf %neg3A_594, %add3A_592 : vector<16xf32>
    %exp3A_596 = math.exp %neg3A_595 : vector<16xf32>
    %add3A_597 = arith.constant 1.000000e+00 : f32
    %add3A_598 = vector.broadcast %add3A_597 : f32 to vector<16xf32>
    %add3A_599 = arith.addf %add3A_598, %exp3A_596 : vector<16xf32>
    %div3A_600 = arith.constant 1.000000e+00 : f32
    %div3A_601 = vector.broadcast %div3A_600 : f32 to vector<16xf32>
    %div3A_602 = arith.divf %div3A_601, %add3A_599 : vector<16xf32>
    %swap3A_603 = arith.constant 288 : index
    %swap3A_604 = tpu.vector_load %arg16[%swap3A_603] {strides = array<i32>} : memref<512xf32, #tpu.memory_space<vmem>>, vector<16xf32>,
    %swap3A_605 = vector.shape_cast %swap3A_604 : vector<16xf32> to vector<16xf32>
    %swap3A_606 = vector.shape_cast %div3A_602 : vector<16xf32> to vector<16xf32>
    tpu.vector_store %arg16[%swap3A_603], %swap3A_606 {strides = array<i32>} : memref<512xf32, #tpu.memory_space<vmem>>, vector<16xf32>,
    %get3A_607 = arith.constant 304 : index
    %get3A_608 = tpu.vector_load %arg12[%get3A_607] {strides = array<i32>} : memref<512xf32, #tpu.memory_space<vmem>>, vector<16xf32>,
    %get3A_609 = vector.shape_cast %get3A_608 : vector<16xf32> to vector<16xf32>
    %get3A_610 = arith.constant 304 : index
    %get3A_611 = tpu.vector_load %arg13[%get3A_610] {strides = array<i32>} : memref<512xf32, #tpu.memory_space<vmem>>, vector<16xf32>,
    %get3A_612 = vector.shape_cast %get3A_611 : vector<16xf32> to vector<16xf32>
    %mul3A_613 = arith.mulf %get3A_609, %get3A_612 : vector<16xf32>
    %get3A_614 = arith.constant 304 : index
    %get3A_615 = tpu.vector_load %arg14[%get3A_614] {strides = array<i32>} : memref<512xf32, #tpu.memory_space<vmem>>, vector<16xf32>,
    %get3A_616 = vector.shape_cast %get3A_615 : vector<16xf32> to vector<16xf32>
    %add3A_617 = arith.addf %mul3A_613, %get3A_616 : vector<16xf32>
    %get3A_618 = arith.constant 304 : index
    %get3A_619 = tpu.vector_load %arg15[%get3A_618] {strides = array<i32>} : memref<512xf32, #tpu.memory_space<vmem>>, vector<16xf32>,
    %get3A_620 = vector.shape_cast %get3A_619 : vector<16xf32> to vector<16xf32>
    %add3A_621 = arith.addf %add3A_617, %get3A_620 : vector<16xf32>
    %add3A_622 = arith.addf %add3A_621, %get3A_40 : vector<16xf32>
    %neg3A_623 = arith.constant 0.000000e+00 : f32
    %neg3A_624 = vector.broadcast %neg3A_623 : f32 to vector<16xf32>
    %neg3A_625 = arith.subf %neg3A_624, %add3A_622 : vector<16xf32>
    %exp3A_626 = math.exp %neg3A_625 : vector<16xf32>
    %add3A_627 = arith.constant 1.000000e+00 : f32
    %add3A_628 = vector.broadcast %add3A_627 : f32 to vector<16xf32>
    %add3A_629 = arith.addf %add3A_628, %exp3A_626 : vector<16xf32>
    %div3A_630 = arith.constant 1.000000e+00 : f32
    %div3A_631 = vector.broadcast %div3A_630 : f32 to vector<16xf32>
    %div3A_632 = arith.divf %div3A_631, %add3A_629 : vector<16xf32>
    %swap3A_633 = arith.constant 304 : index
    %swap3A_634 = tpu.vector_load %arg16[%swap3A_633] {strides = array<i32>} : memref<512xf32, #tpu.memory_space<vmem>>, vector<16xf32>,
    %swap3A_635 = vector.shape_cast %swap3A_634 : vector<16xf32> to vector<16xf32>
    %swap3A_636 = vector.shape_cast %div3A_632 : vector<16xf32> to vector<16xf32>
    tpu.vector_store %arg16[%swap3A_633], %swap3A_636 {strides = array<i32>} : memref<512xf32, #tpu.memory_space<vmem>>, vector<16xf32>,
    %get3A_637 = arith.constant 320 : index
    %get3A_638 = tpu.vector_load %arg12[%get3A_637] {strides = array<i32>} : memref<512xf32, #tpu.memory_space<vmem>>, vector<16xf32>,
    %get3A_639 = vector.shape_cast %get3A_638 : vector<16xf32> to vector<16xf32>
    %get3A_640 = arith.constant 320 : index
    %get3A_641 = tpu.vector_load %arg13[%get3A_640] {strides = array<i32>} : memref<512xf32, #tpu.memory_space<vmem>>, vector<16xf32>,
    %get3A_642 = vector.shape_cast %get3A_641 : vector<16xf32> to vector<16xf32>
    %mul3A_643 = arith.mulf %get3A_639, %get3A_642 : vector<16xf32>
    %get3A_644 = arith.constant 320 : index
    %get3A_645 = tpu.vector_load %arg14[%get3A_644] {strides = array<i32>} : memref<512xf32, #tpu.memory_space<vmem>>, vector<16xf32>,
    %get3A_646 = vector.shape_cast %get3A_645 : vector<16xf32> to vector<16xf32>
    %add3A_647 = arith.addf %mul3A_643, %get3A_646 : vector<16xf32>
    %get3A_648 = arith.constant 320 : index
    %get3A_649 = tpu.vector_load %arg15[%get3A_648] {strides = array<i32>} : memref<512xf32, #tpu.memory_space<vmem>>, vector<16xf32>,
    %get3A_650 = vector.shape_cast %get3A_649 : vector<16xf32> to vector<16xf32>
    %add3A_651 = arith.addf %add3A_647, %get3A_650 : vector<16xf32>
    %add3A_652 = arith.addf %add3A_651, %get3A_40 : vector<16xf32>
    %neg3A_653 = arith.constant 0.000000e+00 : f32
    %neg3A_654 = vector.broadcast %neg3A_653 : f32 to vector<16xf32>
    %neg3A_655 = arith.subf %neg3A_654, %add3A_652 : vector<16xf32>
    %exp3A_656 = math.exp %neg3A_655 : vector<16xf32>
    %add3A_657 = arith.constant 1.000000e+00 : f32
    %add3A_658 = vector.broadcast %add3A_657 : f32 to vector<16xf32>
    %add3A_659 = arith.addf %add3A_658, %exp3A_656 : vector<16xf32>
    %div3A_660 = arith.constant 1.000000e+00 : f32
    %div3A_661 = vector.broadcast %div3A_660 : f32 to vector<16xf32>
    %div3A_662 = arith.divf %div3A_661, %add3A_659 : vector<16xf32>
    %swap3A_663 = arith.constant 320 : index
    %swap3A_664 = tpu.vector_load %arg16[%swap3A_663] {strides = array<i32>} : memref<512xf32, #tpu.memory_space<vmem>>, vector<16xf32>,
    %swap3A_665 = vector.shape_cast %swap3A_664 : vector<16xf32> to vector<16xf32>
    %swap3A_666 = vector.shape_cast %div3A_662 : vector<16xf32> to vector<16xf32>
    tpu.vector_store %arg16[%swap3A_663], %swap3A_666 {strides = array<i32>} : memref<512xf32, #tpu.memory_space<vmem>>, vector<16xf32>,
    %get3A_667 = arith.constant 336 : index
    %get3A_668 = tpu.vector_load %arg12[%get3A_667] {strides = array<i32>} : memref<512xf32, #tpu.memory_space<vmem>>, vector<16xf32>,
    %get3A_669 = vector.shape_cast %get3A_668 : vector<16xf32> to vector<16xf32>
    %get3A_670 = arith.constant 336 : index
    %get3A_671 = tpu.vector_load %arg13[%get3A_670] {strides = array<i32>} : memref<512xf32, #tpu.memory_space<vmem>>, vector<16xf32>,
    %get3A_672 = vector.shape_cast %get3A_671 : vector<16xf32> to vector<16xf32>
    %mul3A_673 = arith.mulf %get3A_669, %get3A_672 : vector<16xf32>
    %get3A_674 = arith.constant 336 : index
    %get3A_675 = tpu.vector_load %arg14[%get3A_674] {strides = array<i32>} : memref<512xf32, #tpu.memory_space<vmem>>, vector<16xf32>,
    %get3A_676 = vector.shape_cast %get3A_675 : vector<16xf32> to vector<16xf32>
    %add3A_677 = arith.addf %mul3A_673, %get3A_676 : vector<16xf32>
    %get3A_678 = arith.constant 336 : index
    %get3A_679 = tpu.vector_load %arg15[%get3A_678] {strides = array<i32>} : memref<512xf32, #tpu.memory_space<vmem>>, vector<16xf32>,
    %get3A_680 = vector.shape_cast %get3A_679 : vector<16xf32> to vector<16xf32>
    %add3A_681 = arith.addf %add3A_677, %get3A_680 : vector<16xf32>
    %add3A_682 = arith.addf %add3A_681, %get3A_40 : vector<16xf32>
    %neg3A_683 = arith.constant 0.000000e+00 : f32
    %neg3A_684 = vector.broadcast %neg3A_683 : f32 to vector<16xf32>
    %neg3A_685 = arith.subf %neg3A_684, %add3A_682 : vector<16xf32>
    %exp3A_686 = math.exp %neg3A_685 : vector<16xf32>
    %add3A_687 = arith.constant 1.000000e+00 : f32
    %add3A_688 = vector.broadcast %add3A_687 : f32 to vector<16xf32>
    %add3A_689 = arith.addf %add3A_688, %exp3A_686 : vector<16xf32>
    %div3A_690 = arith.constant 1.000000e+00 : f32
    %div3A_691 = vector.broadcast %div3A_690 : f32 to vector<16xf32>
    %div3A_692 = arith.divf %div3A_691, %add3A_689 : vector<16xf32>
    %swap3A_693 = arith.constant 336 : index
    %swap3A_694 = tpu.vector_load %arg16[%swap3A_693] {strides = array<i32>} : memref<512xf32, #tpu.memory_space<vmem>>, vector<16xf32>,
    %swap3A_695 = vector.shape_cast %swap3A_694 : vector<16xf32> to vector<16xf32>
    %swap3A_696 = vector.shape_cast %div3A_692 : vector<16xf32> to vector<16xf32>
    tpu.vector_store %arg16[%swap3A_693], %swap3A_696 {strides = array<i32>} : memref<512xf32, #tpu.memory_space<vmem>>, vector<16xf32>,
    %get3A_697 = arith.constant 352 : index
    %get3A_698 = tpu.vector_load %arg12[%get3A_697] {strides = array<i32>} : memref<512xf32, #tpu.memory_space<vmem>>, vector<16xf32>,
    %get3A_699 = vector.shape_cast %get3A_698 : vector<16xf32> to vector<16xf32>
    %get3A_700 = arith.constant 352 : index
    %get3A_701 = tpu.vector_load %arg13[%get3A_700] {strides = array<i32>} : memref<512xf32, #tpu.memory_space<vmem>>, vector<16xf32>,
    %get3A_702 = vector.shape_cast %get3A_701 : vector<16xf32> to vector<16xf32>
    %mul3A_703 = arith.mulf %get3A_699, %get3A_702 : vector<16xf32>
    %get3A_704 = arith.constant 352 : index
    %get3A_705 = tpu.vector_load %arg14[%get3A_704] {strides = array<i32>} : memref<512xf32, #tpu.memory_space<vmem>>, vector<16xf32>,
    %get3A_706 = vector.shape_cast %get3A_705 : vector<16xf32> to vector<16xf32>
    %add3A_707 = arith.addf %mul3A_703, %get3A_706 : vector<16xf32>
    %get3A_708 = arith.constant 352 : index
    %get3A_709 = tpu.vector_load %arg15[%get3A_708] {strides = array<i32>} : memref<512xf32, #tpu.memory_space<vmem>>, vector<16xf32>,
    %get3A_710 = vector.shape_cast %get3A_709 : vector<16xf32> to vector<16xf32>
    %add3A_711 = arith.addf %add3A_707, %get3A_710 : vector<16xf32>
    %add3A_712 = arith.addf %add3A_711, %get3A_40 : vector<16xf32>
    %neg3A_713 = arith.constant 0.000000e+00 : f32
    %neg3A_714 = vector.broadcast %neg3A_713 : f32 to vector<16xf32>
    %neg3A_715 = arith.subf %neg3A_714, %add3A_712 : vector<16xf32>
    %exp3A_716 = math.exp %neg3A_715 : vector<16xf32>
    %add3A_717 = arith.constant 1.000000e+00 : f32
    %add3A_718 = vector.broadcast %add3A_717 : f32 to vector<16xf32>
    %add3A_719 = arith.addf %add3A_718, %exp3A_716 : vector<16xf32>
    %div3A_720 = arith.constant 1.000000e+00 : f32
    %div3A_721 = vector.broadcast %div3A_720 : f32 to vector<16xf32>
    %div3A_722 = arith.divf %div3A_721, %add3A_719 : vector<16xf32>
    %swap3A_723 = arith.constant 352 : index
    %swap3A_724 = tpu.vector_load %arg16[%swap3A_723] {strides = array<i32>} : memref<512xf32, #tpu.memory_space<vmem>>, vector<16xf32>,
    %swap3A_725 = vector.shape_cast %swap3A_724 : vector<16xf32> to vector<16xf32>
    %swap3A_726 = vector.shape_cast %div3A_722 : vector<16xf32> to vector<16xf32>
    tpu.vector_store %arg16[%swap3A_723], %swap3A_726 {strides = array<i32>} : memref<512xf32, #tpu.memory_space<vmem>>, vector<16xf32>,
    %get3A_727 = arith.constant 368 : index
    %get3A_728 = tpu.vector_load %arg12[%get3A_727] {strides = array<i32>} : memref<512xf32, #tpu.memory_space<vmem>>, vector<16xf32>,
    %get3A_729 = vector.shape_cast %get3A_728 : vector<16xf32> to vector<16xf32>
    %get3A_730 = arith.constant 368 : index
    %get3A_731 = tpu.vector_load %arg13[%get3A_730] {strides = array<i32>} : memref<512xf32, #tpu.memory_space<vmem>>, vector<16xf32>,
    %get3A_732 = vector.shape_cast %get3A_731 : vector<16xf32> to vector<16xf32>
    %mul3A_733 = arith.mulf %get3A_729, %get3A_732 : vector<16xf32>
    %get3A_734 = arith.constant 368 : index
    %get3A_735 = tpu.vector_load %arg14[%get3A_734] {strides = array<i32>} : memref<512xf32, #tpu.memory_space<vmem>>, vector<16xf32>,
    %get3A_736 = vector.shape_cast %get3A_735 : vector<16xf32> to vector<16xf32>
    %add3A_737 = arith.addf %mul3A_733, %get3A_736 : vector<16xf32>
    %get3A_738 = arith.constant 368 : index
    %get3A_739 = tpu.vector_load %arg15[%get3A_738] {strides = array<i32>} : memref<512xf32, #tpu.memory_space<vmem>>, vector<16xf32>,
    %get3A_740 = vector.shape_cast %get3A_739 : vector<16xf32> to vector<16xf32>
    %add3A_741 = arith.addf %add3A_737, %get3A_740 : vector<16xf32>
    %add3A_742 = arith.addf %add3A_741, %get3A_40 : vector<16xf32>
    %neg3A_743 = arith.constant 0.000000e+00 : f32
    %neg3A_744 = vector.broadcast %neg3A_743 : f32 to vector<16xf32>
    %neg3A_745 = arith.subf %neg3A_744, %add3A_742 : vector<16xf32>
    %exp3A_746 = math.exp %neg3A_745 : vector<16xf32>
    %add3A_747 = arith.constant 1.000000e+00 : f32
    %add3A_748 = vector.broadcast %add3A_747 : f32 to vector<16xf32>
    %add3A_749 = arith.addf %add3A_748, %exp3A_746 : vector<16xf32>
    %div3A_750 = arith.constant 1.000000e+00 : f32
    %div3A_751 = vector.broadcast %div3A_750 : f32 to vector<16xf32>
    %div3A_752 = arith.divf %div3A_751, %add3A_749 : vector<16xf32>
    %swap3A_753 = arith.constant 368 : index
    %swap3A_754 = tpu.vector_load %arg16[%swap3A_753] {strides = array<i32>} : memref<512xf32, #tpu.memory_space<vmem>>, vector<16xf32>,
    %swap3A_755 = vector.shape_cast %swap3A_754 : vector<16xf32> to vector<16xf32>
    %swap3A_756 = vector.shape_cast %div3A_752 : vector<16xf32> to vector<16xf32>
    tpu.vector_store %arg16[%swap3A_753], %swap3A_756 {strides = array<i32>} : memref<512xf32, #tpu.memory_space<vmem>>, vector<16xf32>,
    %get3A_757 = arith.constant 384 : index
    %get3A_758 = tpu.vector_load %arg12[%get3A_757] {strides = array<i32>} : memref<512xf32, #tpu.memory_space<vmem>>, vector<16xf32>,
    %get3A_759 = vector.shape_cast %get3A_758 : vector<16xf32> to vector<16xf32>
    %get3A_760 = arith.constant 384 : index
    %get3A_761 = tpu.vector_load %arg13[%get3A_760] {strides = array<i32>} : memref<512xf32, #tpu.memory_space<vmem>>, vector<16xf32>,
    %get3A_762 = vector.shape_cast %get3A_761 : vector<16xf32> to vector<16xf32>
    %mul3A_763 = arith.mulf %get3A_759, %get3A_762 : vector<16xf32>
    %get3A_764 = arith.constant 384 : index
    %get3A_765 = tpu.vector_load %arg14[%get3A_764] {strides = array<i32>} : memref<512xf32, #tpu.memory_space<vmem>>, vector<16xf32>,
    %get3A_766 = vector.shape_cast %get3A_765 : vector<16xf32> to vector<16xf32>
    %add3A_767 = arith.addf %mul3A_763, %get3A_766 : vector<16xf32>
    %get3A_768 = arith.constant 384 : index
    %get3A_769 = tpu.vector_load %arg15[%get3A_768] {strides = array<i32>} : memref<512xf32, #tpu.memory_space<vmem>>, vector<16xf32>,
    %get3A_770 = vector.shape_cast %get3A_769 : vector<16xf32> to vector<16xf32>
    %add3A_771 = arith.addf %add3A_767, %get3A_770 : vector<16xf32>
    %add3A_772 = arith.addf %add3A_771, %get3A_40 : vector<16xf32>
    %neg3A_773 = arith.constant 0.000000e+00 : f32
    %neg3A_774 = vector.broadcast %neg3A_773 : f32 to vector<16xf32>
    %neg3A_775 = arith.subf %neg3A_774, %add3A_772 : vector<16xf32>
    %exp3A_776 = math.exp %neg3A_775 : vector<16xf32>
    %add3A_777 = arith.constant 1.000000e+00 : f32
    %add3A_778 = vector.broadcast %add3A_777 : f32 to vector<16xf32>
    %add3A_779 = arith.addf %add3A_778, %exp3A_776 : vector<16xf32>
    %div3A_780 = arith.constant 1.000000e+00 : f32
    %div3A_781 = vector.broadcast %div3A_780 : f32 to vector<16xf32>
    %div3A_782 = arith.divf %div3A_781, %add3A_779 : vector<16xf32>
    %swap3A_783 = arith.constant 384 : index
    %swap3A_784 = tpu.vector_load %arg16[%swap3A_783] {strides = array<i32>} : memref<512xf32, #tpu.memory_space<vmem>>, vector<16xf32>,
    %swap3A_785 = vector.shape_cast %swap3A_784 : vector<16xf32> to vector<16xf32>
    %swap3A_786 = vector.shape_cast %div3A_782 : vector<16xf32> to vector<16xf32>
    tpu.vector_store %arg16[%swap3A_783], %swap3A_786 {strides = array<i32>} : memref<512xf32, #tpu.memory_space<vmem>>, vector<16xf32>,
    %get3A_787 = arith.constant 400 : index
    %get3A_788 = tpu.vector_load %arg12[%get3A_787] {strides = array<i32>} : memref<512xf32, #tpu.memory_space<vmem>>, vector<16xf32>,
    %get3A_789 = vector.shape_cast %get3A_788 : vector<16xf32> to vector<16xf32>
    %get3A_790 = arith.constant 400 : index
    %get3A_791 = tpu.vector_load %arg13[%get3A_790] {strides = array<i32>} : memref<512xf32, #tpu.memory_space<vmem>>, vector<16xf32>,
    %get3A_792 = vector.shape_cast %get3A_791 : vector<16xf32> to vector<16xf32>
    %mul3A_793 = arith.mulf %get3A_789, %get3A_792 : vector<16xf32>
    %get3A_794 = arith.constant 400 : index
    %get3A_795 = tpu.vector_load %arg14[%get3A_794] {strides = array<i32>} : memref<512xf32, #tpu.memory_space<vmem>>, vector<16xf32>,
    %get3A_796 = vector.shape_cast %get3A_795 : vector<16xf32> to vector<16xf32>
    %add3A_797 = arith.addf %mul3A_793, %get3A_796 : vector<16xf32>
    %get3A_798 = arith.constant 400 : index
    %get3A_799 = tpu.vector_load %arg15[%get3A_798] {strides = array<i32>} : memref<512xf32, #tpu.memory_space<vmem>>, vector<16xf32>,
    %get3A_800 = vector.shape_cast %get3A_799 : vector<16xf32> to vector<16xf32>
    %add3A_801 = arith.addf %add3A_797, %get3A_800 : vector<16xf32>
    %add3A_802 = arith.addf %add3A_801, %get3A_40 : vector<16xf32>
    %neg3A_803 = arith.constant 0.000000e+00 : f32
    %neg3A_804 = vector.broadcast %neg3A_803 : f32 to vector<16xf32>
    %neg3A_805 = arith.subf %neg3A_804, %add3A_802 : vector<16xf32>
    %exp3A_806 = math.exp %neg3A_805 : vector<16xf32>
    %add3A_807 = arith.constant 1.000000e+00 : f32
    %add3A_808 = vector.broadcast %add3A_807 : f32 to vector<16xf32>
    %add3A_809 = arith.addf %add3A_808, %exp3A_806 : vector<16xf32>
    %div3A_810 = arith.constant 1.000000e+00 : f32
    %div3A_811 = vector.broadcast %div3A_810 : f32 to vector<16xf32>
    %div3A_812 = arith.divf %div3A_811, %add3A_809 : vector<16xf32>
    %swap3A_813 = arith.constant 400 : index
    %swap3A_814 = tpu.vector_load %arg16[%swap3A_813] {strides = array<i32>} : memref<512xf32, #tpu.memory_space<vmem>>, vector<16xf32>,
    %swap3A_815 = vector.shape_cast %swap3A_814 : vector<16xf32> to vector<16xf32>
    %swap3A_816 = vector.shape_cast %div3A_812 : vector<16xf32> to vector<16xf32>
    tpu.vector_store %arg16[%swap3A_813], %swap3A_816 {strides = array<i32>} : memref<512xf32, #tpu.memory_space<vmem>>, vector<16xf32>,
    %get3A_817 = arith.constant 416 : index
    %get3A_818 = tpu.vector_load %arg12[%get3A_817] {strides = array<i32>} : memref<512xf32, #tpu.memory_space<vmem>>, vector<16xf32>,
    %get3A_819 = vector.shape_cast %get3A_818 : vector<16xf32> to vector<16xf32>
    %get3A_820 = arith.constant 416 : index
    %get3A_821 = tpu.vector_load %arg13[%get3A_820] {strides = array<i32>} : memref<512xf32, #tpu.memory_space<vmem>>, vector<16xf32>,
    %get3A_822 = vector.shape_cast %get3A_821 : vector<16xf32> to vector<16xf32>
    %mul3A_823 = arith.mulf %get3A_819, %get3A_822 : vector<16xf32>
    %get3A_824 = arith.constant 416 : index
    %get3A_825 = tpu.vector_load %arg14[%get3A_824] {strides = array<i32>} : memref<512xf32, #tpu.memory_space<vmem>>, vector<16xf32>,
    %get3A_826 = vector.shape_cast %get3A_825 : vector<16xf32> to vector<16xf32>
    %add3A_827 = arith.addf %mul3A_823, %get3A_826 : vector<16xf32>
    %get3A_828 = arith.constant 416 : index
    %get3A_829 = tpu.vector_load %arg15[%get3A_828] {strides = array<i32>} : memref<512xf32, #tpu.memory_space<vmem>>, vector<16xf32>,
    %get3A_830 = vector.shape_cast %get3A_829 : vector<16xf32> to vector<16xf32>
    %add3A_831 = arith.addf %add3A_827, %get3A_830 : vector<16xf32>
    %add3A_832 = arith.addf %add3A_831, %get3A_40 : vector<16xf32>
    %neg3A_833 = arith.constant 0.000000e+00 : f32
    %neg3A_834 = vector.broadcast %neg3A_833 : f32 to vector<16xf32>
    %neg3A_835 = arith.subf %neg3A_834, %add3A_832 : vector<16xf32>
    %exp3A_836 = math.exp %neg3A_835 : vector<16xf32>
    %add3A_837 = arith.constant 1.000000e+00 : f32
    %add3A_838 = vector.broadcast %add3A_837 : f32 to vector<16xf32>
    %add3A_839 = arith.addf %add3A_838, %exp3A_836 : vector<16xf32>
    %div3A_840 = arith.constant 1.000000e+00 : f32
    %div3A_841 = vector.broadcast %div3A_840 : f32 to vector<16xf32>
    %div3A_842 = arith.divf %div3A_841, %add3A_839 : vector<16xf32>
    %swap3A_843 = arith.constant 416 : index
    %swap3A_844 = tpu.vector_load %arg16[%swap3A_843] {strides = array<i32>} : memref<512xf32, #tpu.memory_space<vmem>>, vector<16xf32>,
    %swap3A_845 = vector.shape_cast %swap3A_844 : vector<16xf32> to vector<16xf32>
    %swap3A_846 = vector.shape_cast %div3A_842 : vector<16xf32> to vector<16xf32>
    tpu.vector_store %arg16[%swap3A_843], %swap3A_846 {strides = array<i32>} : memref<512xf32, #tpu.memory_space<vmem>>, vector<16xf32>,
    %get3A_847 = arith.constant 432 : index
    %get3A_848 = tpu.vector_load %arg12[%get3A_847] {strides = array<i32>} : memref<512xf32, #tpu.memory_space<vmem>>, vector<16xf32>,
    %get3A_849 = vector.shape_cast %get3A_848 : vector<16xf32> to vector<16xf32>
    %get3A_850 = arith.constant 432 : index
    %get3A_851 = tpu.vector_load %arg13[%get3A_850] {strides = array<i32>} : memref<512xf32, #tpu.memory_space<vmem>>, vector<16xf32>,
    %get3A_852 = vector.shape_cast %get3A_851 : vector<16xf32> to vector<16xf32>
    %mul3A_853 = arith.mulf %get3A_849, %get3A_852 : vector<16xf32>
    %get3A_854 = arith.constant 432 : index
    %get3A_855 = tpu.vector_load %arg14[%get3A_854] {strides = array<i32>} : memref<512xf32, #tpu.memory_space<vmem>>, vector<16xf32>,
    %get3A_856 = vector.shape_cast %get3A_855 : vector<16xf32> to vector<16xf32>
    %add3A_857 = arith.addf %mul3A_853, %get3A_856 : vector<16xf32>
    %get3A_858 = arith.constant 432 : index
    %get3A_859 = tpu.vector_load %arg15[%get3A_858] {strides = array<i32>} : memref<512xf32, #tpu.memory_space<vmem>>, vector<16xf32>,
    %get3A_860 = vector.shape_cast %get3A_859 : vector<16xf32> to vector<16xf32>
    %add3A_861 = arith.addf %add3A_857, %get3A_860 : vector<16xf32>
    %add3A_862 = arith.addf %add3A_861, %get3A_40 : vector<16xf32>
    %neg3A_863 = arith.constant 0.000000e+00 : f32
    %neg3A_864 = vector.broadcast %neg3A_863 : f32 to vector<16xf32>
    %neg3A_865 = arith.subf %neg3A_864, %add3A_862 : vector<16xf32>
    %exp3A_866 = math.exp %neg3A_865 : vector<16xf32>
    %add3A_867 = arith.constant 1.000000e+00 : f32
    %add3A_868 = vector.broadcast %add3A_867 : f32 to vector<16xf32>
    %add3A_869 = arith.addf %add3A_868, %exp3A_866 : vector<16xf32>
    %div3A_870 = arith.constant 1.000000e+00 : f32
    %div3A_871 = vector.broadcast %div3A_870 : f32 to vector<16xf32>
    %div3A_872 = arith.divf %div3A_871, %add3A_869 : vector<16xf32>
    %swap3A_873 = arith.constant 432 : index
    %swap3A_874 = tpu.vector_load %arg16[%swap3A_873] {strides = array<i32>} : memref<512xf32, #tpu.memory_space<vmem>>, vector<16xf32>,
    %swap3A_875 = vector.shape_cast %swap3A_874 : vector<16xf32> to vector<16xf32>
    %swap3A_876 = vector.shape_cast %div3A_872 : vector<16xf32> to vector<16xf32>
    tpu.vector_store %arg16[%swap3A_873], %swap3A_876 {strides = array<i32>} : memref<512xf32, #tpu.memory_space<vmem>>, vector<16xf32>,
    %get3A_877 = arith.constant 448 : index
    %get3A_878 = tpu.vector_load %arg12[%get3A_877] {strides = array<i32>} : memref<512xf32, #tpu.memory_space<vmem>>, vector<16xf32>,
    %get3A_879 = vector.shape_cast %get3A_878 : vector<16xf32> to vector<16xf32>
    %get3A_880 = arith.constant 448 : index
    %get3A_881 = tpu.vector_load %arg13[%get3A_880] {strides = array<i32>} : memref<512xf32, #tpu.memory_space<vmem>>, vector<16xf32>,
    %get3A_882 = vector.shape_cast %get3A_881 : vector<16xf32> to vector<16xf32>
    %mul3A_883 = arith.mulf %get3A_879, %get3A_882 : vector<16xf32>
    %get3A_884 = arith.constant 448 : index
    %get3A_885 = tpu.vector_load %arg14[%get3A_884] {strides = array<i32>} : memref<512xf32, #tpu.memory_space<vmem>>, vector<16xf32>,
    %get3A_886 = vector.shape_cast %get3A_885 : vector<16xf32> to vector<16xf32>
    %add3A_887 = arith.addf %mul3A_883, %get3A_886 : vector<16xf32>
    %get3A_888 = arith.constant 448 : index
    %get3A_889 = tpu.vector_load %arg15[%get3A_888] {strides = array<i32>} : memref<512xf32, #tpu.memory_space<vmem>>, vector<16xf32>,
    %get3A_890 = vector.shape_cast %get3A_889 : vector<16xf32> to vector<16xf32>
    %add3A_891 = arith.addf %add3A_887, %get3A_890 : vector<16xf32>
    %add3A_892 = arith.addf %add3A_891, %get3A_40 : vector<16xf32>
    %neg3A_893 = arith.constant 0.000000e+00 : f32
    %neg3A_894 = vector.broadcast %neg3A_893 : f32 to vector<16xf32>
    %neg3A_895 = arith.subf %neg3A_894, %add3A_892 : vector<16xf32>
    %exp3A_896 = math.exp %neg3A_895 : vector<16xf32>
    %add3A_897 = arith.constant 1.000000e+00 : f32
    %add3A_898 = vector.broadcast %add3A_897 : f32 to vector<16xf32>
    %add3A_899 = arith.addf %add3A_898, %exp3A_896 : vector<16xf32>
    %div3A_900 = arith.constant 1.000000e+00 : f32
    %div3A_901 = vector.broadcast %div3A_900 : f32 to vector<16xf32>
    %div3A_902 = arith.divf %div3A_901, %add3A_899 : vector<16xf32>
    %swap3A_903 = arith.constant 448 : index
    %swap3A_904 = tpu.vector_load %arg16[%swap3A_903] {strides = array<i32>} : memref<512xf32, #tpu.memory_space<vmem>>, vector<16xf32>,
    %swap3A_905 = vector.shape_cast %swap3A_904 : vector<16xf32> to vector<16xf32>
    %swap3A_906 = vector.shape_cast %div3A_902 : vector<16xf32> to vector<16xf32>
    tpu.vector_store %arg16[%swap3A_903], %swap3A_906 {strides = array<i32>} : memref<512xf32, #tpu.memory_space<vmem>>, vector<16xf32>,
    %get3A_907 = arith.constant 464 : index
    %get3A_908 = tpu.vector_load %arg12[%get3A_907] {strides = array<i32>} : memref<512xf32, #tpu.memory_space<vmem>>, vector<16xf32>,
    %get3A_909 = vector.shape_cast %get3A_908 : vector<16xf32> to vector<16xf32>
    %get3A_910 = arith.constant 464 : index
    %get3A_911 = tpu.vector_load %arg13[%get3A_910] {strides = array<i32>} : memref<512xf32, #tpu.memory_space<vmem>>, vector<16xf32>,
    %get3A_912 = vector.shape_cast %get3A_911 : vector<16xf32> to vector<16xf32>
    %mul3A_913 = arith.mulf %get3A_909, %get3A_912 : vector<16xf32>
    %get3A_914 = arith.constant 464 : index
    %get3A_915 = tpu.vector_load %arg14[%get3A_914] {strides = array<i32>} : memref<512xf32, #tpu.memory_space<vmem>>, vector<16xf32>,
    %get3A_916 = vector.shape_cast %get3A_915 : vector<16xf32> to vector<16xf32>
    %add3A_917 = arith.addf %mul3A_913, %get3A_916 : vector<16xf32>
    %get3A_918 = arith.constant 464 : index
    %get3A_919 = tpu.vector_load %arg15[%get3A_918] {strides = array<i32>} : memref<512xf32, #tpu.memory_space<vmem>>, vector<16xf32>,
    %get3A_920 = vector.shape_cast %get3A_919 : vector<16xf32> to vector<16xf32>
    %add3A_921 = arith.addf %add3A_917, %get3A_920 : vector<16xf32>
    %add3A_922 = arith.addf %add3A_921, %get3A_40 : vector<16xf32>
    %neg3A_923 = arith.constant 0.000000e+00 : f32
    %neg3A_924 = vector.broadcast %neg3A_923 : f32 to vector<16xf32>
    %neg3A_925 = arith.subf %neg3A_924, %add3A_922 : vector<16xf32>
    %exp3A_926 = math.exp %neg3A_925 : vector<16xf32>
    %add3A_927 = arith.constant 1.000000e+00 : f32
    %add3A_928 = vector.broadcast %add3A_927 : f32 to vector<16xf32>
    %add3A_929 = arith.addf %add3A_928, %exp3A_926 : vector<16xf32>
    %div3A_930 = arith.constant 1.000000e+00 : f32
    %div3A_931 = vector.broadcast %div3A_930 : f32 to vector<16xf32>
    %div3A_932 = arith.divf %div3A_931, %add3A_929 : vector<16xf32>
    %swap3A_933 = arith.constant 464 : index
    %swap3A_934 = tpu.vector_load %arg16[%swap3A_933] {strides = array<i32>} : memref<512xf32, #tpu.memory_space<vmem>>, vector<16xf32>,
    %swap3A_935 = vector.shape_cast %swap3A_934 : vector<16xf32> to vector<16xf32>
    %swap3A_936 = vector.shape_cast %div3A_932 : vector<16xf32> to vector<16xf32>
    tpu.vector_store %arg16[%swap3A_933], %swap3A_936 {strides = array<i32>} : memref<512xf32, #tpu.memory_space<vmem>>, vector<16xf32>,
    %get3A_937 = arith.constant 480 : index
    %get3A_938 = tpu.vector_load %arg12[%get3A_937] {strides = array<i32>} : memref<512xf32, #tpu.memory_space<vmem>>, vector<16xf32>,
    %get3A_939 = vector.shape_cast %get3A_938 : vector<16xf32> to vector<16xf32>
    %get3A_940 = arith.constant 480 : index
    %get3A_941 = tpu.vector_load %arg13[%get3A_940] {strides = array<i32>} : memref<512xf32, #tpu.memory_space<vmem>>, vector<16xf32>,
    %get3A_942 = vector.shape_cast %get3A_941 : vector<16xf32> to vector<16xf32>
    %mul3A_943 = arith.mulf %get3A_939, %get3A_942 : vector<16xf32>
    %get3A_944 = arith.constant 480 : index
    %get3A_945 = tpu.vector_load %arg14[%get3A_944] {strides = array<i32>} : memref<512xf32, #tpu.memory_space<vmem>>, vector<16xf32>,
    %get3A_946 = vector.shape_cast %get3A_945 : vector<16xf32> to vector<16xf32>
    %add3A_947 = arith.addf %mul3A_943, %get3A_946 : vector<16xf32>
    %get3A_948 = arith.constant 480 : index
    %get3A_949 = tpu.vector_load %arg15[%get3A_948] {strides = array<i32>} : memref<512xf32, #tpu.memory_space<vmem>>, vector<16xf32>,
    %get3A_950 = vector.shape_cast %get3A_949 : vector<16xf32> to vector<16xf32>
    %add3A_951 = arith.addf %add3A_947, %get3A_950 : vector<16xf32>
    %add3A_952 = arith.addf %add3A_951, %get3A_40 : vector<16xf32>
    %neg3A_953 = arith.constant 0.000000e+00 : f32
    %neg3A_954 = vector.broadcast %neg3A_953 : f32 to vector<16xf32>
    %neg3A_955 = arith.subf %neg3A_954, %add3A_952 : vector<16xf32>
    %exp3A_956 = math.exp %neg3A_955 : vector<16xf32>
    %add3A_957 = arith.constant 1.000000e+00 : f32
    %add3A_958 = vector.broadcast %add3A_957 : f32 to vector<16xf32>
    %add3A_959 = arith.addf %add3A_958, %exp3A_956 : vector<16xf32>
    %div3A_960 = arith.constant 1.000000e+00 : f32
    %div3A_961 = vector.broadcast %div3A_960 : f32 to vector<16xf32>
    %div3A_962 = arith.divf %div3A_961, %add3A_959 : vector<16xf32>
    %swap3A_963 = arith.constant 480 : index
    %swap3A_964 = tpu.vector_load %arg16[%swap3A_963] {strides = array<i32>} : memref<512xf32, #tpu.memory_space<vmem>>, vector<16xf32>,
    %swap3A_965 = vector.shape_cast %swap3A_964 : vector<16xf32> to vector<16xf32>
    %swap3A_966 = vector.shape_cast %div3A_962 : vector<16xf32> to vector<16xf32>
    tpu.vector_store %arg16[%swap3A_963], %swap3A_966 {strides = array<i32>} : memref<512xf32, #tpu.memory_space<vmem>>, vector<16xf32>,
    %get3A_967 = arith.constant 496 : index
    %get3A_968 = tpu.vector_load %arg12[%get3A_967] {strides = array<i32>} : memref<512xf32, #tpu.memory_space<vmem>>, vector<16xf32>,
    %get3A_969 = vector.shape_cast %get3A_968 : vector<16xf32> to vector<16xf32>
    %get3A_970 = arith.constant 496 : index
    %get3A_971 = tpu.vector_load %arg13[%get3A_970] {strides = array<i32>} : memref<512xf32, #tpu.memory_space<vmem>>, vector<16xf32>,
    %get3A_972 = vector.shape_cast %get3A_971 : vector<16xf32> to vector<16xf32>
    %mul3A_973 = arith.mulf %get3A_969, %get3A_972 : vector<16xf32>
    %get3A_974 = arith.constant 496 : index
    %get3A_975 = tpu.vector_load %arg14[%get3A_974] {strides = array<i32>} : memref<512xf32, #tpu.memory_space<vmem>>, vector<16xf32>,
    %get3A_976 = vector.shape_cast %get3A_975 : vector<16xf32> to vector<16xf32>
    %add3A_977 = arith.addf %mul3A_973, %get3A_976 : vector<16xf32>
    %get3A_978 = arith.constant 496 : index
    %get3A_979 = tpu.vector_load %arg15[%get3A_978] {strides = array<i32>} : memref<512xf32, #tpu.memory_space<vmem>>, vector<16xf32>,
    %get3A_980 = vector.shape_cast %get3A_979 : vector<16xf32> to vector<16xf32>
    %add3A_981 = arith.addf %add3A_977, %get3A_980 : vector<16xf32>
    %add3A_982 = arith.addf %add3A_981, %get3A_40 : vector<16xf32>
    %neg3A_983 = arith.constant 0.000000e+00 : f32
    %neg3A_984 = vector.broadcast %neg3A_983 : f32 to vector<16xf32>
    %neg3A_985 = arith.subf %neg3A_984, %add3A_982 : vector<16xf32>
    %exp3A_986 = math.exp %neg3A_985 : vector<16xf32>
    %add3A_987 = arith.constant 1.000000e+00 : f32
    %add3A_988 = vector.broadcast %add3A_987 : f32 to vector<16xf32>
    %add3A_989 = arith.addf %add3A_988, %exp3A_986 : vector<16xf32>
    %div3A_990 = arith.constant 1.000000e+00 : f32
    %div3A_991 = vector.broadcast %div3A_990 : f32 to vector<16xf32>
    %div3A_992 = arith.divf %div3A_991, %add3A_989 : vector<16xf32>
    %swap3A_993 = arith.constant 496 : index
    %swap3A_994 = tpu.vector_load %arg16[%swap3A_993] {strides = array<i32>} : memref<512xf32, #tpu.memory_space<vmem>>, vector<16xf32>,
    %swap3A_995 = vector.shape_cast %swap3A_994 : vector<16xf32> to vector<16xf32>
    %swap3A_996 = vector.shape_cast %div3A_992 : vector<16xf32> to vector<16xf32>
    tpu.vector_store %arg16[%swap3A_993], %swap3A_996 {strides = array<i32>} : memref<512xf32, #tpu.memory_space<vmem>>, vector<16xf32>,
    "tpu.region"() ({
      %run_scoped3A = tpu.sem_alloc : memref<!tpu.dma_semaphore, #tpu.memory_space<semaphore_mem>>
      %dma_start3A_997 = arith.constant 0 : i32
      %dma_start3A_998 = tpu.memref_slice %arg9[%add3A, %dma_start3A_997] : memref<32x512xf32, #tpu.memory_space<hbm>> -> memref<1x512xf32, #tpu.memory_space<hbm>>
      %dma_start3A_999 = tpu.memref_squeeze %dma_start3A_998 : memref<1x512xf32, #tpu.memory_space<hbm>> -> memref<512xf32, #tpu.memory_space<hbm>>
      %dma_start3A_1000 = arith.constant 0 : i32
      %dma_start3A_1001 = tpu.memref_slice %arg9[%add3A, %dma_start3A_1000] : memref<32x512xf32, #tpu.memory_space<hbm>> -> memref<1x512xf32, #tpu.memory_space<hbm>>
      %dma_start3A_1002 = tpu.memref_squeeze %dma_start3A_1001 : memref<1x512xf32, #tpu.memory_space<hbm>> -> memref<512xf32, #tpu.memory_space<hbm>>
      tpu.enqueue_dma source(%arg16 : memref<512xf32, #tpu.memory_space<vmem>>) target(%dma_start3A_1002 : memref<512xf32, #tpu.memory_space<hbm>>) target_semaphore(%run_scoped3A : memref<!tpu.dma_semaphore, #tpu.memory_space<semaphore_mem>>)
      %dma_wait3A_1003 = arith.constant 0 : i32
      %dma_wait3A_1004 = tpu.memref_slice %arg9[%add3A, %dma_wait3A_1003] : memref<32x512xf32, #tpu.memory_space<hbm>> -> memref<1x512xf32, #tpu.memory_space<hbm>>
      %dma_wait3A_1005 = tpu.memref_squeeze %dma_wait3A_1004 : memref<1x512xf32, #tpu.memory_space<hbm>> -> memref<512xf32, #tpu.memory_space<hbm>>
      %dma_wait3A_1006 = arith.constant 0 : i32
      %dma_wait3A_1007 = tpu.memref_slice %arg9[%add3A, %dma_wait3A_1006] : memref<32x512xf32, #tpu.memory_space<hbm>> -> memref<1x512xf32, #tpu.memory_space<hbm>>
      %dma_wait3A_1008 = tpu.memref_squeeze %dma_wait3A_1007 : memref<1x512xf32, #tpu.memory_space<hbm>> -> memref<512xf32, #tpu.memory_space<hbm>>
      tpu.wait_dma2 semaphore(%run_scoped3A : memref<!tpu.dma_semaphore, #tpu.memory_space<semaphore_mem>>) src(%arg16 : memref<512xf32, #tpu.memory_space<vmem>>) dst(%dma_wait3A_1008 : memref<512xf32, #tpu.memory_space<hbm>>)
      tpu.yield
    }) : () -> ()
    return
  }
}

</mosaic_0001>

<sc_bundles>
// kernel: _run.3.cloned.1.call-start
scs
__scs_entry_jumppad:
0x0: {  	(pc) =	sbr.rel $0x88, $3  }
0x1: {  	(tag) =	ssettag $0x0;
	lr =	simm.s32 $0x1  }
0x2: {  	[smem:$0x3F9A] =	sst lr;
	_ =	strace $0xD0000000  }
0x3: {  	_ = 	snop  }
0x4: {  	_ = 	snop  }
0x5: {  	_ = 	snop  }
0x6: {  	_ = 	snop  }
0x7: {  	_ = 	snop  }
__scs_overlays_trampoline_lowered:
0x8: {  	[smem:$0x3FA9] =	sst s0  }
0x9: {  	[smem:$0x3FAA] =	sst s1  }
0xa: {  	[smem:$0x3FAB] =	sst s2  }
0xb: {  	[smem:$0x3FAC] =	sst s3  }
0xc: {  	[smem:$0x3FAD] =	sst s4  }
0xd: {  	[smem:$0x3FAE] =	sst s5  }
0xe: {  	[smem:$0x3FAF] =	sst s6  }
0xf: {  	[smem:$0x3FB0] =	sst s7  }
0x10: {  	[smem:$0x3FB1] =	sst s8  }
0x11: {  	[smem:$0x3FB2] =	sst s9;
	s0 =	simm.s32 @!p0 $0x0  }
0x12: {  	s1 =	sld [smem:$0x3F98];
	s0 =	simm.s32 @p0 $0x1  }
0x13: {  	[smem:$0x3FB3] =	sst s0;
	s0 =	simm.s32 @!p1 $0x0  }
0x14: {  	s2 =	sld [smem:$0x3F97];
	s0 =	simm.s32 @p1 $0x1  }
0x15: {  	[smem:$0x3FB4] =	sst s0;
	s0 =	simm.s32 @!p2 $0x0  }
0x16: {  	s3 =	sld [smem:$0x3FDB];
	s0 =	simm.s32 @p2 $0x1  }
0x17: {  	s4 =	simm.s32 $0x1BF5;
	[smem:$0x3FB6] =	sst s0  }
0x18: {  	s0 =	sld [smem:$0x3F99];
	_ =	swait.ge [sflag:s4], $0x0  }
0x19: {  	s7 =	sld [smem:$0x3F9A]  }
0x1a: {  	s8 =	sadd.s32 $0xFFFFE003, lr  }
0x1b: {  	s9 =	sadd.s32 $0xFFFFFEF7, lr;
	s5 =	simm.s32 $0xFFFFFFFF;
	p2 =	slt.u32 s8, $0xFFFFF086  }
0x1c: {  	p1 =	slt.u32 s9, $0xF7A;
	s5 =	simm.s32 @!p2 $0x0  }
0x1d: {  	s5 =	simm.s32 @p1 $0x1;
	p0 =	seq.s32 s7, s2  }
0x1e: {  	s7 =	smul.u32 @!p0 $0xF7A, s2;
	p2 =	seq.s32 @!p0 s5, $0x0  }
0x1f: {  	s9 =	smul.u32 $0xF7A, s1;
	s8 =	simm.s32 @!p0 $0x1BF5;
	p2 =	por !p2, p0  }
0x20: {  	[sflag:s8] =	ssyncset.s32 @!p0 $0xFFFFF086;
	s6 =	sadd.s32 @!p0 s3, s7;
	s7 =	simm.s32 @!p0 $0x108  }
0x21: {  	s3 =	sadd.s32 s3, s9;
	s6 =	sadd.s32 @!p0 $0x88, s6;
	s7 =	simm.s32 @p2 $0x1082  }
0x22: {  	[simem:s7], [sflag:s8] =	dma.local @!p0 [hbm:s6], $0xF7A  }
0x23: {  	s9 =	sor.u32 $0xD0000000, s2;
	s6 =	simm.s32 $0x108;
	_ =	swait.ge @!p0 [sflag:s8], $0x0  }
0x24: {  	s3 =	sadd.s32 $0x88, s3;
	s6 =	simm.s32 @!p1 $0x1082;
	[sflag:s4] =	ssyncset.s32 $0xFFFFF086  }
0x25: {  	[simem:s6], [sflag:s4] =	dma.local [hbm:s3], $0xF7A  }
0x26: {  	[smem:$0x3F9A] =	sst s1;
	(tag) =	ssettag s2;
	_ =	strace s9  }
0x27: {  	s1 =	sld [smem:$0x3FAA]  }
0x28: {  	s2 =	sld [smem:$0x3FAB]  }
0x29: {  	s4 =	sld [smem:$0x3FAD]  }
0x2a: {  	p0 =	seq.s32 s5, $0x0;
	s5 =	sld [smem:$0x3FAE]  }
0x2b: {  	s6 =	sld [smem:$0x3FAF]  }
0x2c: {  	s7 =	sld [smem:$0x3FB0]  }
0x2d: {  	s3 =	simm.s32 $0x108;
	s8 =	sld [smem:$0x3FB1]  }
0x2e: {  	s3 =	simm.s32 @!p0 $0x1082;
	s9 =	sld [smem:$0x3FB2]  }
0x2f: {  	lr =	sadd.s32 s0, s3;
	s0 =	sld [smem:$0x3FA9]  }
0x30: {  	s3 =	sld [smem:$0x3FAC]  }
0x31: {  	[smem:$0x3FB5] =	sst s10  }
0x32: {  	s10 =	sld [smem:$0x3FB3];
	_ =	sdelay $0x3  }
0x33: {  	p0 =	seq.s32 s10, $0x1;
	s10 =	sld [smem:$0x3FB5];
	_ =	sdelay $0x3  }
0x34: {  	[smem:$0x3FB5] =	sst s10  }
0x35: {  	s10 =	sld [smem:$0x3FB4];
	_ =	sdelay $0x3  }
0x36: {  	p1 =	seq.s32 s10, $0x1;
	s10 =	sld [smem:$0x3FB5];
	_ =	sdelay $0x3  }
0x37: {  	[smem:$0x3FB5] =	sst s10  }
0x38: {  	s10 =	sld [smem:$0x3FB6]  }
0x39: {  	_ = 	snop;
	(pc) =	sbr.ind lr, $3  }
0x3a: {  	_ = 	snop  }
0x3b: {  	_ = 	snop  }
0x3c: {  	p2 =	seq.s32 s10, $0x1;
	s10 =	sld [smem:$0x3FB5]  }
0x3d: {  	_ =	shalt  }
0x3e: {  	_ =	shalt  }
0x3f: {  	_ =	shalt  }
0x40: {  	_ =	shalt  }
0x41: {  	_ =	shalt  }
0x42: {  	_ =	shalt  }
0x43: {  	_ =	shalt  }
0x44: {  	_ =	shalt  }
0x45: {  	_ =	shalt  }
0x46: {  	_ =	shalt  }
0x47: {  	_ =	shalt  }
0x48: {  	_ =	shalt  }
0x49: {  	_ =	shalt  }
0x4a: {  	_ =	shalt  }
0x4b: {  	_ =	shalt  }
0x4c: {  	_ =	shalt  }
0x4d: {  	_ =	shalt  }
0x4e: {  	_ =	shalt  }
0x4f: {  	_ =	shalt  }
0x50: {  	_ =	shalt  }
0x51: {  	_ =	shalt  }
0x52: {  	_ =	shalt  }
0x53: {  	_ =	shalt  }
0x54: {  	_ =	shalt  }
0x55: {  	_ =	shalt  }
0x56: {  	_ =	shalt  }
0x57: {  	_ =	shalt  }
0x58: {  	_ =	shalt  }
0x59: {  	_ =	shalt  }
0x5a: {  	_ =	shalt  }
0x5b: {  	_ =	shalt  }
0x5c: {  	_ =	shalt  }
0x5d: {  	_ =	shalt  }
0x5e: {  	_ =	shalt  }
0x5f: {  	_ =	shalt  }
0x60: {  	_ =	shalt  }
0x61: {  	_ =	shalt  }
0x62: {  	_ =	shalt  }
0x63: {  	_ =	shalt  }
0x64: {  	_ =	shalt  }
0x65: {  	_ =	shalt  }
0x66: {  	_ =	shalt  }
0x67: {  	_ =	shalt  }
0x68: {  	_ =	shalt  }
0x69: {  	_ =	shalt  }
0x6a: {  	_ =	shalt  }
0x6b: {  	_ =	shalt  }
0x6c: {  	_ =	shalt  }
0x6d: {  	_ =	shalt  }
0x6e: {  	_ =	shalt  }
0x6f: {  	_ =	shalt  }
0x70: {  	_ =	shalt  }
0x71: {  	_ =	shalt  }
0x72: {  	_ =	shalt  }
0x73: {  	_ =	shalt  }
0x74: {  	_ =	shalt  }
0x75: {  	_ =	shalt  }
0x76: {  	_ =	shalt  }
0x77: {  	_ =	shalt  }
0x78: {  	_ =	shalt  }
0x79: {  	_ =	shalt  }
0x7a: {  	_ =	shalt  }
0x7b: {  	_ =	shalt  }
0x7c: {  	_ =	shalt  }
0x7d: {  	_ =	shalt  }
0x7e: {  	_ =	shalt  }
0x7f: {  	_ =	shalt  }
0x80: {  	_ =	shalt  }
0x81: {  	_ =	shalt  }
0x82: {  	_ =	shalt  }
0x83: {  	_ =	shalt  }
0x84: {  	_ =	shalt  }
0x85: {  	_ =	shalt  }
0x86: {  	_ =	shalt  }
0x87: {  	_ =	shalt  }
.Lfunc_end0:
.L_simem_size_0:
called_computation_lowered:
.L_overlay_start_0:
0x88: {  	s2 =	sld [smem:$0x3FD9]  }
0x89: {  	s3 =	sld [smem:$0x3FFE];
	_ =	sdelay $0x1  }
0x8a: {  	s1 =	srdreg.scid  }
0x8b: {  	s0 =	sand.u32 $0x1, s1  }
0x8c: {  	s18 =	sshll.u32 s0, $0xA;
	s2 =	sadd.s32 s3, s2  }
0x8d: {  	s2 =	sadd.s32 s2, s18  }
0x8e: {  	[smem:$0x3FC1] =	sst s2  }
0x8f: {  	_ = 	snop  }
0x90: {  	s2 =	sld [smem:$0x3FC9]  }
0x91: {  	s19 =	sld [smem:$0x3FC8]  }
0x92: {  	s4 =	sld [smem:$0x3FC7]  }
0x93: {  	s5 =	sld [smem:$0x3FC6]  }
0x94: {  	s6 =	sld [smem:$0x3FC5]  }
0x95: {  	s7 =	sld [smem:$0x3FC4]  }
0x96: {  	s8 =	sld [smem:$0x3FC3]  }
0x97: {  	s9 =	sld [smem:$0x3FD0];
	(tm) =	ssettm $0x1  }
0x98: {  	s10 =	sld [smem:$0x3FFB];
	_ =	sdelay $0x3  }
0x99: {  	_ =	strace s10  }
0x9a: {  	s10 =	sld [smem:$0x3FFC];
	_ =	sdelay $0x3  }
0x9b: {  	_ =	strace s10  }
0x9c: {  	s10 =	sld [smem:$0x3FFD];
	_ =	sdelay $0x3  }
0x9d: {  	_ =	strace s10  }
0x9e: {  	_ =	strace $0x8FFFFFFF  }
0x9f: {  	s20 =	sld [smem:$0x3FDB];
	_ =	sdelay $0x1  }
0xa0: {  	s11 =	simm.s32 $_scs_section_size  }
0xa1: {  	s12 =	simm.s32 $_size__tile_overlayer_lowered;
	s13 =	simm.s32 $_tile_overlayer_lowered  }
0xa2: {  	s23 =	simm.s32 $0x1BFF;
	s22 =	sshll.u32 s13, $0x1;
	s10 =	sadd.s32 s11, s20  }
0xa3: {  	s14 =	simm.s32 $0x0;
	s21 =	sshll.u32 s12, $0x1;
	s12 =	sadd.s32 s22, s10  }
0xa4: {  	[timem:s14], [sflag:s23] =	dma.local [hbm:s12], s21  }
0xa5: {  	_ =	swait.ge [sflag:s23], s21  }
0xa6: {  	s11 =	ssub.s32 $0x0, s21;
	[sflag:s23] =	ssyncset.done $0x0  }
0xa7: {  	[sflag:s23] =	ssyncadd.s32 s11;
	_ =	sdelay $0x1  }
0xa8: {  	s24 =	simm.s32 $0x1B8B  }
0xa9: {  	_ =	swait.ge [sflag:s24], $0x1  }
0xaa: {  	[sflag:s24] =	ssyncset.done $0x0  }
0xab: {  	s25 =	simm.s32 $0x1B8E;
	[sflag:s24] =	ssyncadd.s32 $0xFFFFFFFF  }
0xac: {  	s26 =	simm.s32 $execute0_lowered;
	[smem:$0x3FD2] =	sst s25  }
0xad: {  	s11 =	sshll.u32 s26, $0x1;
	_ =	strace $0x80000046;
	[dreg:$0x1] =	wrdreg $0xFFFFFFFF  }
0xae: {  	s28 =	simm.s32 $_size_execute0_lowered;
	s10 =	sadd.s32 s10, s11;
	[dreg:$0x0] =	wrdreg $0x0  }
0xaf: {  	s11 =	sshll.u32 s28, $0x1;
	[dreg:$0x2] =	wrdreg s10  }
0xb0: {  	[dreg:$0x3] =	wrdreg s11  }
0xb1: {  	[dreg:$0x4] =	wrdreg $0xC0  }
0xb2: {  	_ =	task [dreg:s14], $0x5FFFF  }
0xb3: {  	[dreg:$0x1] =	wrdreg $0xFFFFFFFF  }
0xb4: {  	[dreg:$0x0] =	wrdreg $0x60  }
0xb5: {  	[dreg:$0x2] =	wrdreg s2  }
0xb6: {  	[dreg:$0x3] =	wrdreg s19  }
0xb7: {  	[dreg:$0x4] =	wrdreg s4  }
0xb8: {  	[dreg:$0x5] =	wrdreg s5  }
0xb9: {  	[dreg:$0x6] =	wrdreg s6  }
0xba: {  	[dreg:$0x7] =	wrdreg s7  }
0xbb: {  	[dreg:$0x8] =	wrdreg s8  }
0xbc: {  	[dreg:$0x9] =	wrdreg s9  }
0xbd: {  	[dreg:$0xa] =	wrdreg $0x9  }
0xbe: {  	_ =	task.clear_ibuf [dreg:s14], $0xBFFFF;
	_ =	strace $0x90000046  }
0xbf: {  	s29 =	simm.s32 $0x9;
	_ =	strace $0x80000048  }
0xc0: {  	_ =	swait.ge [sflag:s29], $0x1  }
0xc1: {  	[sflag:s29] =	ssyncadd.s32 $0xFFFFFFFF  }
0xc2: {  	_ =	strace $0x90000048  }
0xc3: {  	_ =	sfence  }
0xc4: {  	s30 =	sld [smem:$0x0];
	_ =	sdelay $0x2  }
0xc5: {  	s31 =	sshll.u32 s1, $0xD;
	s1 =	sshrl.u32 s1, $0x2  }
0xc6: {  	s3 =	sand.u32 $0x4000, s31;
	s1 =	sadd.s32 s1, s30  }
0xc7: {  	s0 =	sor.u32 s3, s0;
	s1 =	sshll.u32 s1, $0x11  }
0xc8: {  	s0 =	sor.u32 s1, s0  }
0xc9: {  	s0 =	sadd.s32 $0x8F2B, s0  }
0xca: {  	[sflag:s0] =	ssyncadd.remote.s32 $0x1  }
0xcb: {  	_ =	sfence.sel $0xFFFF  }
0xcc: {  	[dreg:$0x0] =	wrdreg $0xFFFFFFFF;
	(pc) =	sbr.abs _section_cstart, $3  }
0xcd: {  	[dreg:$0x1] =	wrdreg $0xFFFFFFFF  }
0xce: {  	_ =	task.clear_ibuf [dreg:s14], $0x2FFFF;
	_ =	strace $0x9FFFFFFF  }
0xcf: {  	(tm) =	ssettm $0x7FFFFFFF  }
tec
execute0_lowered:
.L_overlay_start_1:
0x0: {  	(tag) =	ssettag $0x1  }
0x1: {  	s8 =	rddreg [dreg:$0x0]  }
0x2: {  	s9 =	rddreg [dreg:$0x1]  }
0x3: {  	s1 =	rddreg [dreg:$0x2]  }
0x4: {  	s2 =	rddreg [dreg:$0x3]  }
0x5: {  	s3 =	rddreg [dreg:$0x4]  }
0x6: {  	s4 =	rddreg [dreg:$0x5]  }
0x7: {  	s5 =	rddreg [dreg:$0x6]  }
0x8: {  	s10 =	rddreg [dreg:$0x7]  }
0x9: {  	s0 =	rddreg [dreg:$0x8]  }
0xa: {  	s7 =	simm.s32 $0x0;
	s11 =	srdreg.scid;
	s6 =	stileid.u32  }
0xb: {  	s15 =	simm.s32 $0xE00;
	s16 =	simm.s32 $0x2;
	s17 =	simm.s32 $0x1  }
0xc: {  	s18 =	simm.s32 $0x600;
	s19 =	simm.s32 $0x800;
	s20 =	simm.s32 $0xA00  }
0xd: {  	s21 =	simm.s32 $0xC00;
	[smem:$0x7FF] =	sst s7;
	s11 =	sand.u32 $0x1, s11  }
0xe: {  	s12 =	sshll.u32 s6, $0x5;
	s13 =	sshll.u32 s6, $0x7;
	s14 =	sshll.u32 s11, $0x4  }
0xf: {  	s12 =	sand.u32 $0x60, s12;
	s11 =	ssub.s32 $0x2, s11;
	s13 =	sand.u32 $0x600, s13  }
0x10: {  	_ =	strace $0x80000047;
	s12 =	sor.u32 s14, s12;
	s31 =	sshrl.u32 s11, $0x1  }
0x11: {  	s14 =	simm.s32 $0x200;
	s12 =	sor.u32 s13, s12;
	s11 =	ssub.s32 s11, s31  }
0x12: {  	s13 =	simm.s32 $0x400;
	s8 =	sadd.s32 s8, s12;
	s9 =	sadd.s32 s9, s12  }
0x13: {  	s10 =	sadd.s32 s10, s12;
	s11 =	smax.u32 s11, $0x1;
	s12 =	simm.s32 $0x80  }
.LBB2_1:
0x14: {  	[tilespmem:s7], [sflag:$0x1] =	stream.strided.gather [hbm4b:s8+s12], $0x200, s13, s12, $0x38;
	[tilespmem:$0xE80] =	vst v63  }
0x15: {  	_ = 	snop  }
0x16: {  	[tilespmem:s14], [sflag:$0x1] =	stream.strided.gather [hbm4b:s9+s12], $0x200, s13, s12, $0x38;
	[tilespmem:$0xE80] =	vst v63  }
0x17: {  	_ = 	snop  }
0x18: {  	[tilespmem:s15], [sflag:$0x2] =	stream.linear.gather [hbm4b:s5+s7], $0x80, $0x38;
	[tilespmem:$0xE80] =	vst v63  }
0x19: {  	_ =	swait.ge [sflag:s16], $0x80  }
0x1a: {  	[sflag:s16] =	ssyncset.done $0x0  }
0x1b: {  	[sflag:s16] =	ssyncadd.s32 $0xFFFFFF80  }
0x1c: {  	_ =	swait.ge [sflag:s17], $0x200  }
0x1d: {  	[sflag:s17] =	ssyncset.done $0x0  }
0x1e: {  	[sflag:s17] =	ssyncadd.s32 $0xFFFFFE00  }
0x1f: {  	_ =	swait.ge [sflag:s17], $0x200  }
0x20: {  	[sflag:s17] =	ssyncset.done $0x0  }
0x21: {  	[sflag:s17] =	ssyncadd.s32 $0xFFFFFE00  }
0x22: {  	[tilespmem:s13], [sflag:$0x1] =	stream.indirect.gather [hbm4b:s1+s14], $0x1, s7, s14, $0xb8;
	[tilespmem:$0xE80] =	vst v63  }
0x23: {  	_ = 	snop  }
0x24: {  	[tilespmem:s18], [sflag:$0x1] =	stream.indirect.gather [hbm4b:s2+s14], $0x1, s14, s14, $0xb8;
	[tilespmem:$0xE80] =	vst v63  }
0x25: {  	_ = 	snop  }
0x26: {  	[tilespmem:s19], [sflag:$0x1] =	stream.indirect.gather [hbm4b:s3+s14], $0x1, s7, s14, $0xb8;
	[tilespmem:$0xE80] =	vst v63  }
0x27: {  	_ = 	snop  }
0x28: {  	[tilespmem:s20], [sflag:$0x1] =	stream.indirect.gather [hbm4b:s4+s14], $0x1, s14, s14, $0xb8;
	[tilespmem:$0xE80] =	vst v63  }
0x29: {  	_ =	swait.ge [sflag:s17], $0x200  }
0x2a: {  	[sflag:s17] =	ssyncset.done $0x0  }
0x2b: {  	[sflag:s17] =	ssyncadd.s32 $0xFFFFFE00  }
0x2c: {  	_ =	swait.ge [sflag:s17], $0x200  }
0x2d: {  	[sflag:s17] =	ssyncset.done $0x0  }
0x2e: {  	[sflag:s17] =	ssyncadd.s32 $0xFFFFFE00  }
0x2f: {  	_ =	swait.ge [sflag:s17], $0x200  }
0x30: {  	[sflag:s17] =	ssyncset.done $0x0  }
0x31: {  	[sflag:s17] =	ssyncadd.s32 $0xFFFFFE00  }
0x32: {  	_ =	swait.ge [sflag:s17], $0x200  }
0x33: {  	[sflag:s17] =	ssyncset.done $0x0  }
0x34: {  	[sflag:s17] =	ssyncadd.s32 $0xFFFFFE00  }
0x35: {  	v0 =	vld [tilespmem:$0x400]  }
0x36: {  	v1 =	vld [tilespmem:$0x600];
	_ =	sdelay $0x1  }
0x37: {  	v2 =	vld [tilespmem:$0x800];
	_ =	sdelay $0x1  }
0x38: {  	v3 =	vld [tilespmem:$0xA00]  }
0x39: {  	v1 =	vmul.f32 v1, v0  }
0x3a: {  	v0 =	vld [tilespmem:$0xE00]  }
0x3b: {  	v1 =	vadd.f32 v2, v1;
	_ =	sdelay $0x1  }
0x3c: {  	v1 =	vadd.f32 v3, v1;
	_ =	sdelay $0x1  }
0x3d: {  	v1 =	vadd.f32 v1, v0  }
0x3e: {  	v56 =	vld [tilespmem:$0x410]  }
0x3f: {  	v57 =	vld [tilespmem:$0x610];
	v1 =	vsub.f32 $0.0e+00, v1;
	_ =	sdelay $0x1  }
0x40: {  	v4 =	vld [tilespmem:$0x810];
	v1 =	vmul.f32 $1.442695020e+00, v1;
	_ =	sdelay $0x1  }
0x41: {  	v58 =	vld [tilespmem:$0xA10];
	(erf) = vpow2.f32 v1  }
0x42: {  	v2 =	vmul.f32 v57, v56;
	_ =	sdelay $0x1  }
0x43: {  	v2 =	vadd.f32 v4, v2;
	_ =	sdelay $0x1  }
0x44: {  	v1 =	vadd.f32 v58, v2;
	_ =	sdelay $0x1  }
0x45: {  	v59 =	vld [tilespmem:$0x420];
	v1 =	vadd.f32 v1, v0  }
0x46: {  	v61 =	vld [tilespmem:$0x620]  }
0x47: {  	v1 =	vsub.f32 $0.0e+00, v1;
	v60 =	vpop (erf)  }
0x48: {  	v5 =	vld [tilespmem:$0x820];
	v3 =	vadd.f32 $1.000000000e+00, v60  }
0x49: {  	v1 =	vmul.f32 $1.442695020e+00, v1  }
0x4a: {  	v62 =	vld [tilespmem:$0xA20];
	(erf) = vrcp.f32 v3  }
0x4b: {  	v2 =	vmul.f32 v61, v59;
	(erf) = vpow2.f32 v1;
	_ =	sdelay $0x1  }
0x4c: {  	v2 =	vadd.f32 v5, v2;
	_ =	sdelay $0x1  }
0x4d: {  	v1 =	vadd.f32 v62, v2;
	_ =	sdelay $0x2  }
0x4e: {  	v63 =	vld [tilespmem:$0x430];
	v2 =	vadd.f32 v1, v0  }
0x4f: {  	v9 =	vld [tilespmem:$0x630];
	v1 =	vpop (erf)  }
0x50: {  	v2 =	vsub.f32 $0.0e+00, v2;
	v8 =	vpop (erf)  }
0x51: {  	v6 =	vld [tilespmem:$0x830];
	v4 =	vadd.f32 $1.000000000e+00, v8  }
0x52: {  	v2 =	vmul.f32 $1.442695020e+00, v2  }
0x53: {  	v10 =	vld [tilespmem:$0xA30];
	(erf) = vrcp.f32 v4  }
0x54: {  	v3 =	vmul.f32 v9, v63;
	(erf) = vpow2.f32 v2;
	_ =	sdelay $0x1  }
0x55: {  	v3 =	vadd.f32 v6, v3;
	_ =	sdelay $0x1  }
0x56: {  	v2 =	vadd.f32 v10, v3;
	_ =	sdelay $0x2  }
0x57: {  	v11 =	vld [tilespmem:$0x440];
	v3 =	vadd.f32 v2, v0  }
0x58: {  	v13 =	vld [tilespmem:$0x640];
	v2 =	vpop (erf)  }
0x59: {  	v3 =	vsub.f32 $0.0e+00, v3;
	v12 =	vpop (erf)  }
0x5a: {  	v7 =	vld [tilespmem:$0x840];
	v5 =	vadd.f32 $1.000000000e+00, v12  }
0x5b: {  	v3 =	vmul.f32 $1.442695020e+00, v3  }
0x5c: {  	v14 =	vld [tilespmem:$0xA40];
	(erf) = vrcp.f32 v5  }
0x5d: {  	v4 =	vmul.f32 v13, v11;
	(erf) = vpow2.f32 v3;
	_ =	sdelay $0x1  }
0x5e: {  	v4 =	vadd.f32 v7, v4;
	_ =	sdelay $0x1  }
0x5f: {  	v3 =	vadd.f32 v14, v4;
	_ =	sdelay $0x2  }
0x60: {  	v15 =	vld [tilespmem:$0x450];
	v4 =	vadd.f32 v3, v0  }
0x61: {  	v17 =	vld [tilespmem:$0x650];
	v3 =	vpop (erf)  }
0x62: {  	v4 =	vsub.f32 $0.0e+00, v4;
	v16 =	vpop (erf)  }
0x63: {  	v8 =	vld [tilespmem:$0x850];
	v6 =	vadd.f32 $1.000000000e+00, v16  }
0x64: {  	v4 =	vmul.f32 $1.442695020e+00, v4  }
0x65: {  	v18 =	vld [tilespmem:$0xA50];
	(erf) = vrcp.f32 v6  }
0x66: {  	v5 =	vmul.f32 v17, v15;
	(erf) = vpow2.f32 v4;
	_ =	sdelay $0x1  }
0x67: {  	v5 =	vadd.f32 v8, v5;
	_ =	sdelay $0x1  }
0x68: {  	v4 =	vadd.f32 v18, v5;
	_ =	sdelay $0x2  }
0x69: {  	v19 =	vld [tilespmem:$0x460];
	v5 =	vadd.f32 v4, v0  }
0x6a: {  	v21 =	vld [tilespmem:$0x660];
	v4 =	vpop (erf)  }
0x6b: {  	v5 =	vsub.f32 $0.0e+00, v5;
	v20 =	vpop (erf)  }
0x6c: {  	v9 =	vld [tilespmem:$0x860];
	v7 =	vadd.f32 $1.000000000e+00, v20  }
0x6d: {  	v5 =	vmul.f32 $1.442695020e+00, v5  }
0x6e: {  	v22 =	vld [tilespmem:$0xA60];
	(erf) = vrcp.f32 v7  }
0x6f: {  	v6 =	vmul.f32 v21, v19;
	(erf) = vpow2.f32 v5;
	_ =	sdelay $0x1  }
0x70: {  	v6 =	vadd.f32 v9, v6;
	_ =	sdelay $0x1  }
0x71: {  	v5 =	vadd.f32 v22, v6;
	_ =	sdelay $0x2  }
0x72: {  	v23 =	vld [tilespmem:$0x470];
	v6 =	vadd.f32 v5, v0  }
0x73: {  	v25 =	vld [tilespmem:$0x670];
	v5 =	vpop (erf)  }
0x74: {  	v6 =	vsub.f32 $0.0e+00, v6;
	v24 =	vpop (erf)  }
0x75: {  	v10 =	vld [tilespmem:$0x870];
	v8 =	vadd.f32 $1.000000000e+00, v24  }
0x76: {  	v6 =	vmul.f32 $1.442695020e+00, v6  }
0x77: {  	v26 =	vld [tilespmem:$0xA70];
	(erf) = vrcp.f32 v8  }
0x78: {  	v7 =	vmul.f32 v25, v23;
	(erf) = vpow2.f32 v6;
	_ =	sdelay $0x1  }
0x79: {  	v7 =	vadd.f32 v10, v7;
	_ =	sdelay $0x1  }
0x7a: {  	v6 =	vadd.f32 v26, v7;
	_ =	sdelay $0x2  }
0x7b: {  	v27 =	vld [tilespmem:$0x480];
	v7 =	vadd.f32 v6, v0  }
0x7c: {  	v29 =	vld [tilespmem:$0x680];
	v6 =	vpop (erf)  }
0x7d: {  	v7 =	vsub.f32 $0.0e+00, v7;
	v28 =	vpop (erf)  }
0x7e: {  	v11 =	vld [tilespmem:$0x880];
	v9 =	vadd.f32 $1.000000000e+00, v28  }
0x7f: {  	v7 =	vmul.f32 $1.442695020e+00, v7  }
0x80: {  	v30 =	vld [tilespmem:$0xA80];
	(erf) = vrcp.f32 v9  }
0x81: {  	v8 =	vmul.f32 v29, v27;
	(erf) = vpow2.f32 v7;
	_ =	sdelay $0x1  }
0x82: {  	v8 =	vadd.f32 v11, v8;
	_ =	sdelay $0x1  }
0x83: {  	v7 =	vadd.f32 v30, v8;
	_ =	sdelay $0x2  }
0x84: {  	v31 =	vld [tilespmem:$0x490];
	v8 =	vadd.f32 v7, v0  }
0x85: {  	v33 =	vld [tilespmem:$0x690];
	v7 =	vpop (erf)  }
0x86: {  	v8 =	vsub.f32 $0.0e+00, v8;
	v32 =	vpop (erf)  }
0x87: {  	v12 =	vld [tilespmem:$0x890];
	v10 =	vadd.f32 $1.000000000e+00, v32  }
0x88: {  	v8 =	vmul.f32 $1.442695020e+00, v8  }
0x89: {  	v34 =	vld [tilespmem:$0xA90];
	(erf) = vrcp.f32 v10  }
0x8a: {  	v9 =	vmul.f32 v33, v31;
	(erf) = vpow2.f32 v8;
	_ =	sdelay $0x1  }
0x8b: {  	v9 =	vadd.f32 v12, v9;
	_ =	sdelay $0x1  }
0x8c: {  	v8 =	vadd.f32 v34, v9;
	_ =	sdelay $0x2  }
0x8d: {  	v35 =	vld [tilespmem:$0x4A0];
	v9 =	vadd.f32 v8, v0  }
0x8e: {  	v37 =	vld [tilespmem:$0x6A0];
	v8 =	vpop (erf)  }
0x8f: {  	v9 =	vsub.f32 $0.0e+00, v9;
	v36 =	vpop (erf)  }
0x90: {  	v13 =	vld [tilespmem:$0x8A0];
	v11 =	vadd.f32 $1.000000000e+00, v36  }
0x91: {  	v9 =	vmul.f32 $1.442695020e+00, v9  }
0x92: {  	v38 =	vld [tilespmem:$0xAA0];
	(erf) = vrcp.f32 v11  }
0x93: {  	v10 =	vmul.f32 v37, v35;
	(erf) = vpow2.f32 v9;
	_ =	sdelay $0x1  }
0x94: {  	v10 =	vadd.f32 v13, v10;
	_ =	sdelay $0x1  }
0x95: {  	v9 =	vadd.f32 v38, v10;
	_ =	sdelay $0x2  }
0x96: {  	v39 =	vld [tilespmem:$0x4B0];
	v10 =	vadd.f32 v9, v0  }
0x97: {  	v41 =	vld [tilespmem:$0x6B0];
	v9 =	vpop (erf)  }
0x98: {  	v10 =	vsub.f32 $0.0e+00, v10;
	v40 =	vpop (erf)  }
0x99: {  	v14 =	vld [tilespmem:$0x8B0];
	v12 =	vadd.f32 $1.000000000e+00, v40  }
0x9a: {  	v10 =	vmul.f32 $1.442695020e+00, v10  }
0x9b: {  	v42 =	vld [tilespmem:$0xAB0];
	(erf) = vrcp.f32 v12  }
0x9c: {  	v11 =	vmul.f32 v41, v39;
	(erf) = vpow2.f32 v10;
	_ =	sdelay $0x1  }
0x9d: {  	v11 =	vadd.f32 v14, v11;
	_ =	sdelay $0x1  }
0x9e: {  	v10 =	vadd.f32 v42, v11;
	_ =	sdelay $0x2  }
0x9f: {  	v43 =	vld [tilespmem:$0x4C0];
	v11 =	vadd.f32 v10, v0  }
0xa0: {  	v45 =	vld [tilespmem:$0x6C0];
	v10 =	vpop (erf)  }
0xa1: {  	v11 =	vsub.f32 $0.0e+00, v11;
	v44 =	vpop (erf)  }
0xa2: {  	v15 =	vld [tilespmem:$0x8C0];
	v13 =	vadd.f32 $1.000000000e+00, v44  }
0xa3: {  	v11 =	vmul.f32 $1.442695020e+00, v11  }
0xa4: {  	v46 =	vld [tilespmem:$0xAC0];
	(erf) = vrcp.f32 v13  }
0xa5: {  	v12 =	vmul.f32 v45, v43;
	(erf) = vpow2.f32 v11;
	_ =	sdelay $0x1  }
0xa6: {  	v12 =	vadd.f32 v15, v12;
	_ =	sdelay $0x1  }
0xa7: {  	v11 =	vadd.f32 v46, v12;
	_ =	sdelay $0x2  }
0xa8: {  	v47 =	vld [tilespmem:$0x4D0];
	v12 =	vadd.f32 v11, v0  }
0xa9: {  	v49 =	vld [tilespmem:$0x6D0];
	v11 =	vpop (erf)  }
0xaa: {  	v12 =	vsub.f32 $0.0e+00, v12;
	v48 =	vpop (erf)  }
0xab: {  	v16 =	vld [tilespmem:$0x8D0];
	v14 =	vadd.f32 $1.000000000e+00, v48  }
0xac: {  	v12 =	vmul.f32 $1.442695020e+00, v12  }
0xad: {  	v50 =	vld [tilespmem:$0xAD0];
	(erf) = vrcp.f32 v14  }
0xae: {  	v13 =	vmul.f32 v49, v47;
	(erf) = vpow2.f32 v12;
	_ =	sdelay $0x1  }
0xaf: {  	v13 =	vadd.f32 v16, v13;
	_ =	sdelay $0x1  }
0xb0: {  	v12 =	vadd.f32 v50, v13;
	_ =	sdelay $0x2  }
0xb1: {  	v51 =	vld [tilespmem:$0x4E0];
	v13 =	vadd.f32 v12, v0  }
0xb2: {  	v53 =	vld [tilespmem:$0x6E0];
	v12 =	vpop (erf)  }
0xb3: {  	v13 =	vsub.f32 $0.0e+00, v13;
	v52 =	vpop (erf)  }
0xb4: {  	v17 =	vld [tilespmem:$0x8E0];
	v15 =	vadd.f32 $1.000000000e+00, v52  }
0xb5: {  	v13 =	vmul.f32 $1.442695020e+00, v13  }
0xb6: {  	v54 =	vld [tilespmem:$0xAE0];
	(erf) = vrcp.f32 v15  }
0xb7: {  	v14 =	vmul.f32 v53, v51;
	(erf) = vpow2.f32 v13;
	_ =	sdelay $0x1  }
0xb8: {  	v14 =	vadd.f32 v17, v14;
	_ =	sdelay $0x1  }
0xb9: {  	v13 =	vadd.f32 v54, v14;
	_ =	sdelay $0x2  }
0xba: {  	v55 =	vld [tilespmem:$0x4F0];
	v14 =	vadd.f32 v13, v0  }
0xbb: {  	v57 =	vld [tilespmem:$0x6F0];
	v13 =	vpop (erf)  }
0xbc: {  	v14 =	vsub.f32 $0.0e+00, v14;
	v56 =	vpop (erf)  }
0xbd: {  	v18 =	vld [tilespmem:$0x8F0];
	v16 =	vadd.f32 $1.000000000e+00, v56  }
0xbe: {  	v14 =	vmul.f32 $1.442695020e+00, v14  }
0xbf: {  	v58 =	vld [tilespmem:$0xAF0];
	(erf) = vrcp.f32 v16  }
0xc0: {  	v15 =	vmul.f32 v57, v55;
	(erf) = vpow2.f32 v14;
	_ =	sdelay $0x1  }
0xc1: {  	v15 =	vadd.f32 v18, v15;
	_ =	sdelay $0x1  }
0xc2: {  	v14 =	vadd.f32 v58, v15;
	_ =	sdelay $0x2  }
0xc3: {  	v59 =	vld [tilespmem:$0x500];
	v15 =	vadd.f32 v14, v0  }
0xc4: {  	v61 =	vld [tilespmem:$0x700];
	v14 =	vpop (erf)  }
0xc5: {  	v15 =	vsub.f32 $0.0e+00, v15;
	v60 =	vpop (erf)  }
0xc6: {  	v19 =	vld [tilespmem:$0x900];
	v17 =	vadd.f32 $1.000000000e+00, v60  }
0xc7: {  	v15 =	vmul.f32 $1.442695020e+00, v15  }
0xc8: {  	v62 =	vld [tilespmem:$0xB00];
	(erf) = vrcp.f32 v17  }
0xc9: {  	v16 =	vmul.f32 v61, v59;
	(erf) = vpow2.f32 v15;
	_ =	sdelay $0x1  }
0xca: {  	v16 =	vadd.f32 v19, v16;
	_ =	sdelay $0x1  }
0xcb: {  	v15 =	vadd.f32 v62, v16;
	_ =	sdelay $0x2  }
0xcc: {  	v63 =	vld [tilespmem:$0x510];
	v16 =	vadd.f32 v15, v0  }
0xcd: {  	v25 =	vld [tilespmem:$0x710];
	v15 =	vpop (erf)  }
0xce: {  	v16 =	vsub.f32 $0.0e+00, v16;
	v24 =	vpop (erf)  }
0xcf: {  	v20 =	vld [tilespmem:$0x910];
	v18 =	vadd.f32 $1.000000000e+00, v24  }
0xd0: {  	v16 =	vmul.f32 $1.442695020e+00, v16  }
0xd1: {  	v26 =	vld [tilespmem:$0xB10];
	(erf) = vrcp.f32 v18  }
0xd2: {  	v17 =	vmul.f32 v25, v63;
	(erf) = vpow2.f32 v16;
	_ =	sdelay $0x1  }
0xd3: {  	v17 =	vadd.f32 v20, v17;
	_ =	sdelay $0x1  }
0xd4: {  	v16 =	vadd.f32 v26, v17;
	_ =	sdelay $0x2  }
0xd5: {  	v27 =	vld [tilespmem:$0x520];
	v17 =	vadd.f32 v16, v0  }
0xd6: {  	v29 =	vld [tilespmem:$0x720];
	v16 =	vpop (erf)  }
0xd7: {  	v17 =	vsub.f32 $0.0e+00, v17;
	v28 =	vpop (erf)  }
0xd8: {  	v21 =	vld [tilespmem:$0x920];
	v19 =	vadd.f32 $1.000000000e+00, v28  }
0xd9: {  	v17 =	vmul.f32 $1.442695020e+00, v17  }
0xda: {  	v30 =	vld [tilespmem:$0xB20];
	(erf) = vrcp.f32 v19  }
0xdb: {  	v18 =	vmul.f32 v29, v27;
	(erf) = vpow2.f32 v17;
	_ =	sdelay $0x1  }
0xdc: {  	v18 =	vadd.f32 v21, v18;
	_ =	sdelay $0x1  }
0xdd: {  	v17 =	vadd.f32 v30, v18;
	_ =	sdelay $0x2  }
0xde: {  	v31 =	vld [tilespmem:$0x530];
	v18 =	vadd.f32 v17, v0  }
0xdf: {  	v33 =	vld [tilespmem:$0x730];
	v17 =	vpop (erf)  }
0xe0: {  	v18 =	vsub.f32 $0.0e+00, v18;
	v32 =	vpop (erf)  }
0xe1: {  	v22 =	vld [tilespmem:$0x930];
	v20 =	vadd.f32 $1.000000000e+00, v32  }
0xe2: {  	v18 =	vmul.f32 $1.442695020e+00, v18  }
0xe3: {  	v34 =	vld [tilespmem:$0xB30];
	(erf) = vrcp.f32 v20  }
0xe4: {  	v19 =	vmul.f32 v33, v31;
	(erf) = vpow2.f32 v18;
	_ =	sdelay $0x1  }
0xe5: {  	v19 =	vadd.f32 v22, v19;
	_ =	sdelay $0x1  }
0xe6: {  	v18 =	vadd.f32 v34, v19;
	_ =	sdelay $0x2  }
0xe7: {  	v35 =	vld [tilespmem:$0x540];
	v19 =	vadd.f32 v18, v0  }
0xe8: {  	v37 =	vld [tilespmem:$0x740];
	v18 =	vpop (erf)  }
0xe9: {  	v19 =	vsub.f32 $0.0e+00, v19;
	v36 =	vpop (erf)  }
0xea: {  	v23 =	vld [tilespmem:$0x940];
	v21 =	vadd.f32 $1.000000000e+00, v36  }
0xeb: {  	v19 =	vmul.f32 $1.442695020e+00, v19  }
0xec: {  	v38 =	vld [tilespmem:$0xB40];
	(erf) = vrcp.f32 v21  }
0xed: {  	v20 =	vmul.f32 v37, v35;
	(erf) = vpow2.f32 v19;
	_ =	sdelay $0x1  }
0xee: {  	v20 =	vadd.f32 v23, v20;
	_ =	sdelay $0x1  }
0xef: {  	v19 =	vadd.f32 v38, v20;
	_ =	sdelay $0x2  }
0xf0: {  	v39 =	vld [tilespmem:$0x550];
	v20 =	vadd.f32 v19, v0  }
0xf1: {  	v41 =	vld [tilespmem:$0x750];
	v19 =	vpop (erf)  }
0xf2: {  	v20 =	vsub.f32 $0.0e+00, v20;
	v40 =	vpop (erf)  }
0xf3: {  	v24 =	vld [tilespmem:$0x950];
	v22 =	vadd.f32 $1.000000000e+00, v40  }
0xf4: {  	v20 =	vmul.f32 $1.442695020e+00, v20  }
0xf5: {  	v42 =	vld [tilespmem:$0xB50];
	(erf) = vrcp.f32 v22  }
0xf6: {  	v21 =	vmul.f32 v41, v39;
	(erf) = vpow2.f32 v20;
	_ =	sdelay $0x1  }
0xf7: {  	v21 =	vadd.f32 v24, v21;
	_ =	sdelay $0x1  }
0xf8: {  	v20 =	vadd.f32 v42, v21;
	_ =	sdelay $0x2  }
0xf9: {  	v43 =	vld [tilespmem:$0x560];
	v21 =	vadd.f32 v20, v0  }
0xfa: {  	v45 =	vld [tilespmem:$0x760];
	v20 =	vpop (erf)  }
0xfb: {  	v21 =	vsub.f32 $0.0e+00, v21;
	v44 =	vpop (erf)  }
0xfc: {  	v25 =	vld [tilespmem:$0x960];
	v23 =	vadd.f32 $1.000000000e+00, v44  }
0xfd: {  	v21 =	vmul.f32 $1.442695020e+00, v21  }
0xfe: {  	v46 =	vld [tilespmem:$0xB60];
	(erf) = vrcp.f32 v23  }
0xff: {  	v22 =	vmul.f32 v45, v43;
	(erf) = vpow2.f32 v21;
	_ =	sdelay $0x1  }
0x100: {  	v22 =	vadd.f32 v25, v22;
	_ =	sdelay $0x1  }
0x101: {  	v21 =	vadd.f32 v46, v22;
	_ =	sdelay $0x2  }
0x102: {  	v47 =	vld [tilespmem:$0x570];
	v22 =	vadd.f32 v21, v0  }
0x103: {  	v49 =	vld [tilespmem:$0x770];
	v21 =	vpop (erf)  }
0x104: {  	v22 =	vsub.f32 $0.0e+00, v22;
	v48 =	vpop (erf)  }
0x105: {  	v26 =	vld [tilespmem:$0x970];
	v24 =	vadd.f32 $1.000000000e+00, v48  }
0x106: {  	v22 =	vmul.f32 $1.442695020e+00, v22  }
0x107: {  	v50 =	vld [tilespmem:$0xB70];
	(erf) = vrcp.f32 v24  }
0x108: {  	v23 =	vmul.f32 v49, v47;
	(erf) = vpow2.f32 v22;
	_ =	sdelay $0x1  }
0x109: {  	v23 =	vadd.f32 v26, v23;
	_ =	sdelay $0x1  }
0x10a: {  	v22 =	vadd.f32 v50, v23;
	_ =	sdelay $0x2  }
0x10b: {  	v51 =	vld [tilespmem:$0x580];
	v23 =	vadd.f32 v22, v0  }
0x10c: {  	v53 =	vld [tilespmem:$0x780];
	v22 =	vpop (erf)  }
0x10d: {  	v23 =	vsub.f32 $0.0e+00, v23;
	v52 =	vpop (erf)  }
0x10e: {  	v27 =	vld [tilespmem:$0x980];
	v25 =	vadd.f32 $1.000000000e+00, v52  }
0x10f: {  	v23 =	vmul.f32 $1.442695020e+00, v23  }
0x110: {  	v54 =	vld [tilespmem:$0xB80];
	(erf) = vrcp.f32 v25  }
0x111: {  	v24 =	vmul.f32 v53, v51;
	(erf) = vpow2.f32 v23;
	_ =	sdelay $0x1  }
0x112: {  	v24 =	vadd.f32 v27, v24;
	_ =	sdelay $0x1  }
0x113: {  	v23 =	vadd.f32 v54, v24;
	_ =	sdelay $0x2  }
0x114: {  	v24 =	vadd.f32 v23, v0  }
0x115: {  	v55 =	vld [tilespmem:$0x590];
	v23 =	vpop (erf)  }
0x116: {  	v57 =	vld [tilespmem:$0x790];
	v24 =	vsub.f32 $0.0e+00, v24;
	v56 =	vpop (erf)  }
0x117: {  	v26 =	vadd.f32 $1.000000000e+00, v56  }
0x118: {  	v28 =	vld [tilespmem:$0x990];
	v24 =	vmul.f32 $1.442695020e+00, v24  }
0x119: {  	(erf) = vrcp.f32 v26  }
0x11a: {  	v58 =	vld [tilespmem:$0xB90];
	(erf) = vpow2.f32 v24  }
0x11b: {  	v25 =	vmul.f32 v57, v55;
	_ =	sdelay $0x1  }
0x11c: {  	v25 =	vadd.f32 v28, v25;
	_ =	sdelay $0x1  }
0x11d: {  	v24 =	vadd.f32 v58, v25;
	_ =	sdelay $0x1  }
0x11e: {  	v24 =	vadd.f32 v24, v0  }
0x11f: {  	v59 =	vld [tilespmem:$0x5A0];
	v25 =	vpop (erf)  }
0x120: {  	v61 =	vld [tilespmem:$0x7A0];
	v24 =	vsub.f32 $0.0e+00, v24;
	v60 =	vpop (erf)  }
0x121: {  	v27 =	vadd.f32 $1.000000000e+00, v60  }
0x122: {  	v29 =	vld [tilespmem:$0x9A0];
	v24 =	vmul.f32 $1.442695020e+00, v24  }
0x123: {  	(erf) = vrcp.f32 v27  }
0x124: {  	v62 =	vld [tilespmem:$0xBA0];
	(erf) = vpow2.f32 v24  }
0x125: {  	v26 =	vmul.f32 v61, v59;
	_ =	sdelay $0x1  }
0x126: {  	v26 =	vadd.f32 v29, v26;
	_ =	sdelay $0x1  }
0x127: {  	v24 =	vadd.f32 v62, v26;
	_ =	sdelay $0x1  }
0x128: {  	v24 =	vadd.f32 v24, v0  }
0x129: {  	v34 =	vld [tilespmem:$0x5B0];
	v63 =	vpop (erf)  }
0x12a: {  	v36 =	vld [tilespmem:$0x7B0];
	v24 =	vsub.f32 $0.0e+00, v24;
	v35 =	vpop (erf)  }
0x12b: {  	v28 =	vadd.f32 $1.000000000e+00, v35  }
0x12c: {  	v30 =	vld [tilespmem:$0x9B0];
	v24 =	vmul.f32 $1.442695020e+00, v24  }
0x12d: {  	(erf) = vrcp.f32 v28  }
0x12e: {  	v37 =	vld [tilespmem:$0xBB0];
	(erf) = vpow2.f32 v24  }
0x12f: {  	v27 =	vmul.f32 v36, v34;
	_ =	sdelay $0x1  }
0x130: {  	v27 =	vadd.f32 v30, v27;
	_ =	sdelay $0x1  }
0x131: {  	v24 =	vadd.f32 v37, v27;
	_ =	sdelay $0x1  }
0x132: {  	v24 =	vadd.f32 v24, v0  }
0x133: {  	v39 =	vld [tilespmem:$0x5C0];
	v38 =	vpop (erf)  }
0x134: {  	v41 =	vld [tilespmem:$0x7C0];
	v24 =	vsub.f32 $0.0e+00, v24;
	v40 =	vpop (erf)  }
0x135: {  	v29 =	vadd.f32 $1.000000000e+00, v40  }
0x136: {  	v31 =	vld [tilespmem:$0x9C0];
	v24 =	vmul.f32 $1.442695020e+00, v24  }
0x137: {  	(erf) = vrcp.f32 v29  }
0x138: {  	v42 =	vld [tilespmem:$0xBC0];
	(erf) = vpow2.f32 v24  }
0x139: {  	v28 =	vmul.f32 v41, v39;
	_ =	sdelay $0x1  }
0x13a: {  	v28 =	vadd.f32 v31, v28;
	_ =	sdelay $0x1  }
0x13b: {  	v24 =	vadd.f32 v42, v28;
	_ =	sdelay $0x1  }
0x13c: {  	v24 =	vadd.f32 v24, v0  }
0x13d: {  	v44 =	vld [tilespmem:$0x5D0];
	v43 =	vpop (erf)  }
0x13e: {  	v46 =	vld [tilespmem:$0x7D0];
	v24 =	vsub.f32 $0.0e+00, v24;
	v45 =	vpop (erf)  }
0x13f: {  	v30 =	vadd.f32 $1.000000000e+00, v45  }
0x140: {  	v32 =	vld [tilespmem:$0x9D0];
	v24 =	vmul.f32 $1.442695020e+00, v24  }
0x141: {  	(erf) = vrcp.f32 v30  }
0x142: {  	v47 =	vld [tilespmem:$0xBD0];
	(erf) = vpow2.f32 v24  }
0x143: {  	v29 =	vmul.f32 v46, v44;
	_ =	sdelay $0x1  }
0x144: {  	v29 =	vadd.f32 v32, v29;
	_ =	sdelay $0x1  }
0x145: {  	v24 =	vadd.f32 v47, v29;
	_ =	sdelay $0x1  }
0x146: {  	v24 =	vadd.f32 v24, v0  }
0x147: {  	v49 =	vld [tilespmem:$0x5E0];
	v48 =	vpop (erf)  }
0x148: {  	v51 =	vld [tilespmem:$0x7E0];
	v24 =	vsub.f32 $0.0e+00, v24;
	v50 =	vpop (erf)  }
0x149: {  	v31 =	vadd.f32 $1.000000000e+00, v50  }
0x14a: {  	v33 =	vld [tilespmem:$0x9E0];
	v24 =	vmul.f32 $1.442695020e+00, v24  }
0x14b: {  	(erf) = vrcp.f32 v31  }
0x14c: {  	v52 =	vld [tilespmem:$0xBE0];
	(erf) = vpow2.f32 v24  }
0x14d: {  	v30 =	vmul.f32 v51, v49;
	_ =	sdelay $0x1  }
0x14e: {  	v30 =	vadd.f32 v33, v30;
	_ =	sdelay $0x1  }
0x14f: {  	v24 =	vadd.f32 v52, v30;
	_ =	sdelay $0x1  }
0x150: {  	v24 =	vadd.f32 v24, v0  }
0x151: {  	v54 =	vld [tilespmem:$0x5F0];
	v53 =	vpop (erf)  }
0x152: {  	v56 =	vld [tilespmem:$0x7F0];
	v24 =	vsub.f32 $0.0e+00, v24;
	v55 =	vpop (erf)  }
0x153: {  	v32 =	vadd.f32 $1.000000000e+00, v55  }
0x154: {  	v34 =	vld [tilespmem:$0x9F0];
	v24 =	vmul.f32 $1.442695020e+00, v24  }
0x155: {  	(erf) = vrcp.f32 v32  }
0x156: {  	v57 =	vld [tilespmem:$0xBF0];
	(erf) = vpow2.f32 v24  }
0x157: {  	v31 =	vmul.f32 v56, v54;
	_ =	sdelay $0x1  }
0x158: {  	v31 =	vadd.f32 v34, v31  }
0x159: {  	[tilespmem:$0xC00] =	vst v1  }
0x15a: {  	[tilespmem:$0xC10] =	vst v2;
	v58 =	vadd.f32 v57, v31  }
0x15b: {  	[tilespmem:$0xC20] =	vst v3  }
0x15c: {  	[tilespmem:$0xC30] =	vst v4;
	v0 =	vadd.f32 v58, v0  }
0x15d: {  	[tilespmem:$0xC40] =	vst v5;
	v59 =	vpop (erf)  }
0x15e: {  	[tilespmem:$0xC50] =	vst v6;
	v0 =	vsub.f32 $0.0e+00, v0;
	v60 =	vpop (erf)  }
0x15f: {  	[tilespmem:$0xC60] =	vst v7;
	v2 =	vadd.f32 $1.000000000e+00, v60  }
0x160: {  	[tilespmem:$0xC70] =	vst v8;
	v0 =	vmul.f32 $1.442695020e+00, v0  }
0x161: {  	[tilespmem:$0xC80] =	vst v9;
	(erf) = vrcp.f32 v2  }
0x162: {  	[tilespmem:$0xC90] =	vst v10;
	(erf) = vpow2.f32 v0  }
0x163: {  	[tilespmem:$0xCA0] =	vst v11  }
0x164: {  	[tilespmem:$0xCB0] =	vst v12  }
0x165: {  	[tilespmem:$0xCC0] =	vst v13  }
0x166: {  	[tilespmem:$0xCD0] =	vst v14  }
0x167: {  	[tilespmem:$0xCE0] =	vst v15  }
0x168: {  	[tilespmem:$0xCF0] =	vst v16  }
0x169: {  	[tilespmem:$0xD00] =	vst v17  }
0x16a: {  	[tilespmem:$0xD10] =	vst v18;
	v61 =	vpop (erf)  }
0x16b: {  	[tilespmem:$0xD20] =	vst v19;
	v62 =	vpop (erf)  }
0x16c: {  	[tilespmem:$0xD30] =	vst v20;
	v2 =	vadd.f32 $1.000000000e+00, v62  }
0x16d: {  	[tilespmem:$0xD40] =	vst v21  }
0x16e: {  	[tilespmem:$0xD50] =	vst v22;
	(erf) = vrcp.f32 v2  }
0x16f: {  	[tilespmem:$0xD60] =	vst v23  }
0x170: {  	[tilespmem:$0xD70] =	vst v25  }
0x171: {  	[tilespmem:$0xD80] =	vst v63  }
0x172: {  	[tilespmem:$0xD90] =	vst v38  }
0x173: {  	[tilespmem:$0xDA0] =	vst v43  }
0x174: {  	[tilespmem:$0xDB0] =	vst v48  }
0x175: {  	[tilespmem:$0xDC0] =	vst v53  }
0x176: {  	[tilespmem:$0xDD0] =	vst v59  }
0x177: {  	p0 =	sne.s32 s11, $0x1;
	[tilespmem:$0xDE0] =	vst v61;
	v63 =	vpop (erf)  }
.Ltmp0:
0x178: {  	[tilespmem:$0xDF0] =	vst v63;
	(pc) =	sbr.rel @p0 .LBB2_1-.Ltmp0, $4  }
0x179: {  	[hbm4b:s10+s12] =	stream.strided.scatter [tilespmem:s21], [sflag:$0x2], $0x200, s13, s12, $0x38;
	[tilespmem:$0xE80] =	vst v63  }
0x17a: {  	_ =	swait.ge [sflag:s16], $0x200  }
0x17b: {  	[sflag:s16] =	ssyncset.done $0x0  }
0x17c: {  	s11 =	sadd.s32 $0xFFFFFFFF, s11;
	[sflag:s16] =	ssyncadd.s32 $0xFFFFFE00  }
0x17d: {  	_ =	sfence.sel $0x180000  }
0x17e: {  	[bflag:$0x0] =	sbarrier.arrive $0xFFFF  }
0x17f: {  	p0 =	sne.s32 s6, $0x0;
	_ =	strace $0x90000047  }
0x180: {  	s0 =	sadd.s32 @!p0 $0x100000, s0;
	[bflag:$0x2] =	sbarrier.arrive $0xFFFF  }
0x181: {  	[sflag:s0] =	ssyncadd.tile.s32 @!p0 $0x1;
	_ =	shalt  }
.Lfunc_end2:
_tile_overlayer_lowered:
.L_overlay_start_2:
0x182: {  	(tag) =	ssettag $0x2  }
0x183: {  	s0 =	rddreg [dreg:$0x0];
	s2 =	stileid.u32  }
0x184: {  	s1 =	rddreg [dreg:$0x1];
	p0 =	sne.s32 s2, $0x0  }
0x185: {  	s3 =	rddreg [dreg:$0x2];
	[bflag:$0x3] =	sbarrier.arrive $0xFFFF;
	s2 =	simm.s32 @!p0 $0x1C02  }
0x186: {  	[timem:s3], [sflag:s2] =	dma.local @!p0 [hbm:s0], s1  }
0x187: {  	s0 =	simm.s32 @!p0 $0x2  }
0x188: {  	_ =	swait.ge @!p0 [sflag:s0], s1  }
0x189: {  	s1 =	ssub.s32 @!p0 $0x0, s1;
	[sflag:s0] =	ssyncset.done @!p0 $0x0  }
0x18a: {  	[sflag:s0] =	ssyncadd.s32 @!p0 s1  }
0x18b: {  	[bflag:$0x3] =	sbarrier.arrive $0xFFFF  }
0x18c: {  	_ =	shalt  }

</sc_bundles>
